<compile_context>
chip_gen: v7x
topology: tpu7x:2x2x1
jax: 0.10.2.dev20260603
libtpu: 0.0.44.dev20260713+nightly
codegen_flags: <defaults>
</compile_context>

<pallas_src>
import jax
import jax.numpy as jnp
from jax import lax
from jax.experimental import pallas as pl
from jax.experimental.pallas import tpu as pltpu
from jax.experimental.pallas import tpu_sc as plsc

_NC = 2
_NS = 16
_NW = _NC * _NS
_L = 16

_N_OUT = 128 * 512 * 3 * 33
_N_IN = 2 * _N_OUT
_PER_W = _N_OUT // _NW
_NBLK = 12
_BO = _PER_W // _NBLK
_BI = 2 * _BO


def _body(x_hbm, out_hbm, in0, in1, o0, o1, si0, si1, so0, so1):
    c = lax.axis_index("c")
    s = lax.axis_index("s")
    wid = s * _NC + c
    base = wid * _PER_W
    even_idx = lax.iota(jnp.int32, _L) * 2

    ins = (in0, in1)
    outs = (o0, o1)
    sis = (si0, si1)
    sos = (so0, so1)

    def start_in(j):
        ob = base + j * _BO
        return pltpu.async_copy(
            x_hbm.at[pl.ds(2 * ob, _BI)], ins[j % 2], sis[j % 2])

    pending_in = [start_in(0), None]
    pending_out = [None, None]
    for j in range(_NBLK):
        if j + 1 < _NBLK:
            pending_in[(j + 1) % 2] = start_in(j + 1)
        pending_in[j % 2].wait()
        if pending_out[j % 2] is not None:
            pending_out[j % 2].wait()
        in_v = ins[j % 2]
        out_v = outs[j % 2]

        @plsc.parallel_loop(0, _BO, _L, unroll=8)
        def block(v):
            a = in_v[pl.ds(2 * v, _L)]
            b = in_v[pl.ds(2 * v + _L, _L)]
            out_v[pl.ds(v, _L)] = a + b

        ob = base + j * _BO
        pending_out[j % 2] = pltpu.async_copy(
            out_v, out_hbm.at[pl.ds(ob, _BO)], sos[j % 2])

    pending_out[0].wait()
    pending_out[1].wait()


_pool = pl.kernel(
    _body,
    out_type=jax.ShapeDtypeStruct((_N_OUT,), jnp.float32),
    mesh=plsc.VectorSubcoreMesh(
        core_axis_name="c", subcore_axis_name="s",
        num_cores=_NC, num_subcores=_NS,
    ),
    scratch_types=[
        pltpu.VMEM((_BI,), jnp.float32),
        pltpu.VMEM((_BI,), jnp.float32),
        pltpu.VMEM((_BO,), jnp.float32),
        pltpu.VMEM((_BO,), jnp.float32),
        pltpu.SemaphoreType.DMA,
        pltpu.SemaphoreType.DMA,
        pltpu.SemaphoreType.DMA,
        pltpu.SemaphoreType.DMA,
    ],
    compiler_params=pltpu.CompilerParams(needs_layout_passes=False),
)


@jax.jit
def kernel(x):
    flat = x.reshape(_N_IN)
    return _pool(flat).reshape(128, 512, 3, 33)

# --- scband reference (transcript-rebuilt; emitter-appended) ---
"""Pipeline reference for scband-graph-down-sample-avg-12120397709983 (READ-ONLY COPY).

The authoritative reference and input builder live on the scoring server;
editing this copy changes nothing except your own understanding.
"""

import jax, jax.numpy as jnp
import numpy as np

SAMPLELIST = [[2 * i, 2 * i + 1] for i in range(33)]


def setup_inputs(seed: int = 0) -> dict:
    key = jax.random.key(seed)
    x = jax.random.normal(key, (128, 512, 3, 66), dtype=jnp.float32)
    return {"x": x}


def reference(x):
    # Faithful to the intended forward: for each node group, gather the nodes
    # along the last axis, sum over the group, keep a singleton node dim, then
    # concatenate all groups along the node axis.
    # (The original torch code has a typo `torch.unsqueeze(dim=3)`; the intended
    # op is unsqueezing the per-group summed tensor at dim 3, implemented here
    # with keepdims=True.)
    feats = []
    for g in SAMPLELIST:
        idx = jnp.array(g, dtype=jnp.int32)
        x1 = x[:, :, :, idx]                       # gather: [B, F, C, len(g)]
        y = jnp.sum(x1, axis=3, keepdims=True)     # [B, F, C, 1]
        feats.append(y)
    return jnp.concatenate(feats, axis=3)          # [B, F, C, n_groups]

if __name__ == "__main__":
    import jax
    _d = setup_inputs()
    print(jax.jit(kernel)(*tuple(_d.values())))

</pallas_src>

<mosaic_0001>
#map = affine_map<(d0, d1) -> (0)>
module attributes {stable_mosaic.version = 14 : i64} {
  func.func @_body(%arg0: i32, %arg1: i32, %arg2: memref<12976128xf32, #tpu.memory_space<hbm>>, %arg3: memref<6488064xf32, #tpu.memory_space<hbm>>, %arg4: memref<33792xf32, #tpu.memory_space<vmem>>, %arg5: memref<33792xf32, #tpu.memory_space<vmem>>, %arg6: memref<16896xf32, #tpu.memory_space<vmem>>, %arg7: memref<16896xf32, #tpu.memory_space<vmem>>, %arg8: memref<!tpu.dma_semaphore, #tpu.memory_space<semaphore_mem>>, %arg9: memref<!tpu.dma_semaphore, #tpu.memory_space<semaphore_mem>>, %arg10: memref<!tpu.dma_semaphore, #tpu.memory_space<semaphore_mem>>, %arg11: memref<!tpu.dma_semaphore, #tpu.memory_space<semaphore_mem>>) attributes {dimension_semantics = [#tpu.dimension_semantics<core_parallel>, #tpu.dimension_semantics<subcore_parallel>], iteration_bounds = array<i64: 2, 16>, scalar_prefetch = 0 : i64, scratch_operands = 8 : i64, tpu.core_type = #tpu.core_type<sc_vector_subcore>, window_params = [{transform_indices = #map}, {transform_indices = #map}]} {
    %mul3A = arith.constant 2 : i32
    %mul3A_0 = arith.muli %arg1, %mul3A : i32
    %add3A = arith.addi %mul3A_0, %arg0 : i32
    %mul3A_1 = arith.constant 202752 : i32
    %mul3A_2 = arith.muli %add3A, %mul3A_1 : i32
    %iota3A = tpu.iota {dimensions = array<i32: 0>} : vector<16xi32>
    %mul3A_3 = arith.constant 2 : i32
    %mul3A_4 = vector.broadcast %mul3A_3 : i32 to vector<16xi32>
    %mul3A_5 = arith.muli %iota3A, %mul3A_4 : vector<16xi32>
    %add3A_6 = arith.constant 0 : i32
    %add3A_7 = arith.addi %mul3A_2, %add3A_6 : i32
    %mul3A_8 = arith.constant 2 : i32
    %mul3A_9 = arith.muli %mul3A_8, %add3A_7 : i32
    %dma_start3A = tpu.memref_slice %arg2[%mul3A_9] : memref<12976128xf32, #tpu.memory_space<hbm>> -> memref<33792xf32, #tpu.memory_space<hbm>>
    %dma_start3A_10 = tpu.memref_slice %arg2[%mul3A_9] : memref<12976128xf32, #tpu.memory_space<hbm>> -> memref<33792xf32, #tpu.memory_space<hbm>>
    tpu.enqueue_dma source(%dma_start3A_10 : memref<33792xf32, #tpu.memory_space<hbm>>) target(%arg4 : memref<33792xf32, #tpu.memory_space<vmem>>) target_semaphore(%arg8 : memref<!tpu.dma_semaphore, #tpu.memory_space<semaphore_mem>>)
    %add3A_11 = arith.constant 16896 : i32
    %add3A_12 = arith.addi %mul3A_2, %add3A_11 : i32
    %mul3A_13 = arith.constant 2 : i32
    %mul3A_14 = arith.muli %mul3A_13, %add3A_12 : i32
    %dma_start3A_15 = tpu.memref_slice %arg2[%mul3A_14] : memref<12976128xf32, #tpu.memory_space<hbm>> -> memref<33792xf32, #tpu.memory_space<hbm>>
    %dma_start3A_16 = tpu.memref_slice %arg2[%mul3A_14] : memref<12976128xf32, #tpu.memory_space<hbm>> -> memref<33792xf32, #tpu.memory_space<hbm>>
    tpu.enqueue_dma source(%dma_start3A_16 : memref<33792xf32, #tpu.memory_space<hbm>>) target(%arg5 : memref<33792xf32, #tpu.memory_space<vmem>>) target_semaphore(%arg9 : memref<!tpu.dma_semaphore, #tpu.memory_space<semaphore_mem>>)
    %dma_wait3A = tpu.memref_slice %arg2[%mul3A_9] : memref<12976128xf32, #tpu.memory_space<hbm>> -> memref<33792xf32, #tpu.memory_space<hbm>>
    %dma_wait3A_17 = tpu.memref_slice %arg2[%mul3A_9] : memref<12976128xf32, #tpu.memory_space<hbm>> -> memref<33792xf32, #tpu.memory_space<hbm>>
    tpu.wait_dma2 semaphore(%arg8 : memref<!tpu.dma_semaphore, #tpu.memory_space<semaphore_mem>>) src(%dma_wait3A_17 : memref<33792xf32, #tpu.memory_space<hbm>>) dst(%arg4 : memref<33792xf32, #tpu.memory_space<vmem>>)
    %parallel_loop3A = arith.constant 0 : i32
    %parallel_loop3A_18 = arith.constant 16896 : i32
    %parallel_loop3A_19 = arith.constant 16 : i32
    scf.for %parallel_loop3A_207 = %parallel_loop3A to %parallel_loop3A_18 step %parallel_loop3A_19  : i32 {
      %parallel_loop3A_208 = arith.constant 2 : i32
      %parallel_loop3A_209 = arith.muli %parallel_loop3A_208, %parallel_loop3A_207 : i32
      %parallel_loop3A_210 = arith.index_cast %parallel_loop3A_209 : i32 to index
      %parallel_loop3A_211 = tpu.vector_load %arg4[%parallel_loop3A_210] {strides = array<i32>} : memref<33792xf32, #tpu.memory_space<vmem>>, vector<16xf32>,
      %parallel_loop3A_212 = arith.constant 2 : i32
      %parallel_loop3A_213 = arith.muli %parallel_loop3A_212, %parallel_loop3A_207 : i32
      %parallel_loop3A_214 = arith.constant 16 : i32
      %parallel_loop3A_215 = arith.addi %parallel_loop3A_213, %parallel_loop3A_214 : i32
      %parallel_loop3A_216 = arith.index_cast %parallel_loop3A_215 : i32 to index
      %parallel_loop3A_217 = tpu.vector_load %arg4[%parallel_loop3A_216] {strides = array<i32>} : memref<33792xf32, #tpu.memory_space<vmem>>, vector<16xf32>,
      %parallel_loop3A_218 = arith.addf %parallel_loop3A_211, %parallel_loop3A_217 : vector<16xf32>
      %parallel_loop3A_219 = arith.index_cast %parallel_loop3A_207 : i32 to index
      %parallel_loop3A_220 = tpu.vector_load %arg6[%parallel_loop3A_219] {strides = array<i32>} : memref<16896xf32, #tpu.memory_space<vmem>>, vector<16xf32>,
      tpu.vector_store %arg6[%parallel_loop3A_219], %parallel_loop3A_218 {strides = array<i32>} : memref<16896xf32, #tpu.memory_space<vmem>>, vector<16xf32>,
    } {sc.loop_unroll_factor = 8 : i64, sc.parallel_access}
    %add3A_20 = arith.constant 0 : i32
    %add3A_21 = arith.addi %mul3A_2, %add3A_20 : i32
    %dma_start3A_22 = tpu.memref_slice %arg3[%add3A_21] : memref<6488064xf32, #tpu.memory_space<hbm>> -> memref<16896xf32, #tpu.memory_space<hbm>>
    %dma_start3A_23 = tpu.memref_slice %arg3[%add3A_21] : memref<6488064xf32, #tpu.memory_space<hbm>> -> memref<16896xf32, #tpu.memory_space<hbm>>
    tpu.enqueue_dma source(%arg6 : memref<16896xf32, #tpu.memory_space<vmem>>) target(%dma_start3A_23 : memref<16896xf32, #tpu.memory_space<hbm>>) target_semaphore(%arg10 : memref<!tpu.dma_semaphore, #tpu.memory_space<semaphore_mem>>)
    %add3A_24 = arith.constant 33792 : i32
    %add3A_25 = arith.addi %mul3A_2, %add3A_24 : i32
    %mul3A_26 = arith.constant 2 : i32
    %mul3A_27 = arith.muli %mul3A_26, %add3A_25 : i32
    %dma_start3A_28 = tpu.memref_slice %arg2[%mul3A_27] : memref<12976128xf32, #tpu.memory_space<hbm>> -> memref<33792xf32, #tpu.memory_space<hbm>>
    %dma_start3A_29 = tpu.memref_slice %arg2[%mul3A_27] : memref<12976128xf32, #tpu.memory_space<hbm>> -> memref<33792xf32, #tpu.memory_space<hbm>>
    tpu.enqueue_dma source(%dma_start3A_29 : memref<33792xf32, #tpu.memory_space<hbm>>) target(%arg4 : memref<33792xf32, #tpu.memory_space<vmem>>) target_semaphore(%arg8 : memref<!tpu.dma_semaphore, #tpu.memory_space<semaphore_mem>>)
    %dma_wait3A_30 = tpu.memref_slice %arg2[%mul3A_14] : memref<12976128xf32, #tpu.memory_space<hbm>> -> memref<33792xf32, #tpu.memory_space<hbm>>
    %dma_wait3A_31 = tpu.memref_slice %arg2[%mul3A_14] : memref<12976128xf32, #tpu.memory_space<hbm>> -> memref<33792xf32, #tpu.memory_space<hbm>>
    tpu.wait_dma2 semaphore(%arg9 : memref<!tpu.dma_semaphore, #tpu.memory_space<semaphore_mem>>) src(%dma_wait3A_31 : memref<33792xf32, #tpu.memory_space<hbm>>) dst(%arg5 : memref<33792xf32, #tpu.memory_space<vmem>>)
    %parallel_loop3A_32 = arith.constant 0 : i32
    %parallel_loop3A_33 = arith.constant 16896 : i32
    %parallel_loop3A_34 = arith.constant 16 : i32
    scf.for %parallel_loop3A_207 = %parallel_loop3A_32 to %parallel_loop3A_33 step %parallel_loop3A_34  : i32 {
      %parallel_loop3A_208 = arith.constant 2 : i32
      %parallel_loop3A_209 = arith.muli %parallel_loop3A_208, %parallel_loop3A_207 : i32
      %parallel_loop3A_210 = arith.index_cast %parallel_loop3A_209 : i32 to index
      %parallel_loop3A_211 = tpu.vector_load %arg5[%parallel_loop3A_210] {strides = array<i32>} : memref<33792xf32, #tpu.memory_space<vmem>>, vector<16xf32>,
      %parallel_loop3A_212 = arith.constant 2 : i32
      %parallel_loop3A_213 = arith.muli %parallel_loop3A_212, %parallel_loop3A_207 : i32
      %parallel_loop3A_214 = arith.constant 16 : i32
      %parallel_loop3A_215 = arith.addi %parallel_loop3A_213, %parallel_loop3A_214 : i32
      %parallel_loop3A_216 = arith.index_cast %parallel_loop3A_215 : i32 to index
      %parallel_loop3A_217 = tpu.vector_load %arg5[%parallel_loop3A_216] {strides = array<i32>} : memref<33792xf32, #tpu.memory_space<vmem>>, vector<16xf32>,
      %parallel_loop3A_218 = arith.addf %parallel_loop3A_211, %parallel_loop3A_217 : vector<16xf32>
      %parallel_loop3A_219 = arith.index_cast %parallel_loop3A_207 : i32 to index
      %parallel_loop3A_220 = tpu.vector_load %arg7[%parallel_loop3A_219] {strides = array<i32>} : memref<16896xf32, #tpu.memory_space<vmem>>, vector<16xf32>,
      tpu.vector_store %arg7[%parallel_loop3A_219], %parallel_loop3A_218 {strides = array<i32>} : memref<16896xf32, #tpu.memory_space<vmem>>, vector<16xf32>,
    } {sc.loop_unroll_factor = 8 : i64, sc.parallel_access}
    %add3A_35 = arith.constant 16896 : i32
    %add3A_36 = arith.addi %mul3A_2, %add3A_35 : i32
    %dma_start3A_37 = tpu.memref_slice %arg3[%add3A_36] : memref<6488064xf32, #tpu.memory_space<hbm>> -> memref<16896xf32, #tpu.memory_space<hbm>>
    %dma_start3A_38 = tpu.memref_slice %arg3[%add3A_36] : memref<6488064xf32, #tpu.memory_space<hbm>> -> memref<16896xf32, #tpu.memory_space<hbm>>
    tpu.enqueue_dma source(%arg7 : memref<16896xf32, #tpu.memory_space<vmem>>) target(%dma_start3A_38 : memref<16896xf32, #tpu.memory_space<hbm>>) target_semaphore(%arg11 : memref<!tpu.dma_semaphore, #tpu.memory_space<semaphore_mem>>)
    %add3A_39 = arith.constant 50688 : i32
    %add3A_40 = arith.addi %mul3A_2, %add3A_39 : i32
    %mul3A_41 = arith.constant 2 : i32
    %mul3A_42 = arith.muli %mul3A_41, %add3A_40 : i32
    %dma_start3A_43 = tpu.memref_slice %arg2[%mul3A_42] : memref<12976128xf32, #tpu.memory_space<hbm>> -> memref<33792xf32, #tpu.memory_space<hbm>>
    %dma_start3A_44 = tpu.memref_slice %arg2[%mul3A_42] : memref<12976128xf32, #tpu.memory_space<hbm>> -> memref<33792xf32, #tpu.memory_space<hbm>>
    tpu.enqueue_dma source(%dma_start3A_44 : memref<33792xf32, #tpu.memory_space<hbm>>) target(%arg5 : memref<33792xf32, #tpu.memory_space<vmem>>) target_semaphore(%arg9 : memref<!tpu.dma_semaphore, #tpu.memory_space<semaphore_mem>>)
    %dma_wait3A_45 = tpu.memref_slice %arg2[%mul3A_27] : memref<12976128xf32, #tpu.memory_space<hbm>> -> memref<33792xf32, #tpu.memory_space<hbm>>
    %dma_wait3A_46 = tpu.memref_slice %arg2[%mul3A_27] : memref<12976128xf32, #tpu.memory_space<hbm>> -> memref<33792xf32, #tpu.memory_space<hbm>>
    tpu.wait_dma2 semaphore(%arg8 : memref<!tpu.dma_semaphore, #tpu.memory_space<semaphore_mem>>) src(%dma_wait3A_46 : memref<33792xf32, #tpu.memory_space<hbm>>) dst(%arg4 : memref<33792xf32, #tpu.memory_space<vmem>>)
    %dma_wait3A_47 = tpu.memref_slice %arg3[%add3A_21] : memref<6488064xf32, #tpu.memory_space<hbm>> -> memref<16896xf32, #tpu.memory_space<hbm>>
    %dma_wait3A_48 = tpu.memref_slice %arg3[%add3A_21] : memref<6488064xf32, #tpu.memory_space<hbm>> -> memref<16896xf32, #tpu.memory_space<hbm>>
    tpu.wait_dma2 semaphore(%arg10 : memref<!tpu.dma_semaphore, #tpu.memory_space<semaphore_mem>>) src(%arg6 : memref<16896xf32, #tpu.memory_space<vmem>>) dst(%dma_wait3A_48 : memref<16896xf32, #tpu.memory_space<hbm>>)
    %parallel_loop3A_49 = arith.constant 0 : i32
    %parallel_loop3A_50 = arith.constant 16896 : i32
    %parallel_loop3A_51 = arith.constant 16 : i32
    scf.for %parallel_loop3A_207 = %parallel_loop3A_49 to %parallel_loop3A_50 step %parallel_loop3A_51  : i32 {
      %parallel_loop3A_208 = arith.constant 2 : i32
      %parallel_loop3A_209 = arith.muli %parallel_loop3A_208, %parallel_loop3A_207 : i32
      %parallel_loop3A_210 = arith.index_cast %parallel_loop3A_209 : i32 to index
      %parallel_loop3A_211 = tpu.vector_load %arg4[%parallel_loop3A_210] {strides = array<i32>} : memref<33792xf32, #tpu.memory_space<vmem>>, vector<16xf32>,
      %parallel_loop3A_212 = arith.constant 2 : i32
      %parallel_loop3A_213 = arith.muli %parallel_loop3A_212, %parallel_loop3A_207 : i32
      %parallel_loop3A_214 = arith.constant 16 : i32
      %parallel_loop3A_215 = arith.addi %parallel_loop3A_213, %parallel_loop3A_214 : i32
      %parallel_loop3A_216 = arith.index_cast %parallel_loop3A_215 : i32 to index
      %parallel_loop3A_217 = tpu.vector_load %arg4[%parallel_loop3A_216] {strides = array<i32>} : memref<33792xf32, #tpu.memory_space<vmem>>, vector<16xf32>,
      %parallel_loop3A_218 = arith.addf %parallel_loop3A_211, %parallel_loop3A_217 : vector<16xf32>
      %parallel_loop3A_219 = arith.index_cast %parallel_loop3A_207 : i32 to index
      %parallel_loop3A_220 = tpu.vector_load %arg6[%parallel_loop3A_219] {strides = array<i32>} : memref<16896xf32, #tpu.memory_space<vmem>>, vector<16xf32>,
      tpu.vector_store %arg6[%parallel_loop3A_219], %parallel_loop3A_218 {strides = array<i32>} : memref<16896xf32, #tpu.memory_space<vmem>>, vector<16xf32>,
    } {sc.loop_unroll_factor = 8 : i64, sc.parallel_access}
    %add3A_52 = arith.constant 33792 : i32
    %add3A_53 = arith.addi %mul3A_2, %add3A_52 : i32
    %dma_start3A_54 = tpu.memref_slice %arg3[%add3A_53] : memref<6488064xf32, #tpu.memory_space<hbm>> -> memref<16896xf32, #tpu.memory_space<hbm>>
    %dma_start3A_55 = tpu.memref_slice %arg3[%add3A_53] : memref<6488064xf32, #tpu.memory_space<hbm>> -> memref<16896xf32, #tpu.memory_space<hbm>>
    tpu.enqueue_dma source(%arg6 : memref<16896xf32, #tpu.memory_space<vmem>>) target(%dma_start3A_55 : memref<16896xf32, #tpu.memory_space<hbm>>) target_semaphore(%arg10 : memref<!tpu.dma_semaphore, #tpu.memory_space<semaphore_mem>>)
    %add3A_56 = arith.constant 67584 : i32
    %add3A_57 = arith.addi %mul3A_2, %add3A_56 : i32
    %mul3A_58 = arith.constant 2 : i32
    %mul3A_59 = arith.muli %mul3A_58, %add3A_57 : i32
    %dma_start3A_60 = tpu.memref_slice %arg2[%mul3A_59] : memref<12976128xf32, #tpu.memory_space<hbm>> -> memref<33792xf32, #tpu.memory_space<hbm>>
    %dma_start3A_61 = tpu.memref_slice %arg2[%mul3A_59] : memref<12976128xf32, #tpu.memory_space<hbm>> -> memref<33792xf32, #tpu.memory_space<hbm>>
    tpu.enqueue_dma source(%dma_start3A_61 : memref<33792xf32, #tpu.memory_space<hbm>>) target(%arg4 : memref<33792xf32, #tpu.memory_space<vmem>>) target_semaphore(%arg8 : memref<!tpu.dma_semaphore, #tpu.memory_space<semaphore_mem>>)
    %dma_wait3A_62 = tpu.memref_slice %arg2[%mul3A_42] : memref<12976128xf32, #tpu.memory_space<hbm>> -> memref<33792xf32, #tpu.memory_space<hbm>>
    %dma_wait3A_63 = tpu.memref_slice %arg2[%mul3A_42] : memref<12976128xf32, #tpu.memory_space<hbm>> -> memref<33792xf32, #tpu.memory_space<hbm>>
    tpu.wait_dma2 semaphore(%arg9 : memref<!tpu.dma_semaphore, #tpu.memory_space<semaphore_mem>>) src(%dma_wait3A_63 : memref<33792xf32, #tpu.memory_space<hbm>>) dst(%arg5 : memref<33792xf32, #tpu.memory_space<vmem>>)
    %dma_wait3A_64 = tpu.memref_slice %arg3[%add3A_36] : memref<6488064xf32, #tpu.memory_space<hbm>> -> memref<16896xf32, #tpu.memory_space<hbm>>
    %dma_wait3A_65 = tpu.memref_slice %arg3[%add3A_36] : memref<6488064xf32, #tpu.memory_space<hbm>> -> memref<16896xf32, #tpu.memory_space<hbm>>
    tpu.wait_dma2 semaphore(%arg11 : memref<!tpu.dma_semaphore, #tpu.memory_space<semaphore_mem>>) src(%arg7 : memref<16896xf32, #tpu.memory_space<vmem>>) dst(%dma_wait3A_65 : memref<16896xf32, #tpu.memory_space<hbm>>)
    %parallel_loop3A_66 = arith.constant 0 : i32
    %parallel_loop3A_67 = arith.constant 16896 : i32
    %parallel_loop3A_68 = arith.constant 16 : i32
    scf.for %parallel_loop3A_207 = %parallel_loop3A_66 to %parallel_loop3A_67 step %parallel_loop3A_68  : i32 {
      %parallel_loop3A_208 = arith.constant 2 : i32
      %parallel_loop3A_209 = arith.muli %parallel_loop3A_208, %parallel_loop3A_207 : i32
      %parallel_loop3A_210 = arith.index_cast %parallel_loop3A_209 : i32 to index
      %parallel_loop3A_211 = tpu.vector_load %arg5[%parallel_loop3A_210] {strides = array<i32>} : memref<33792xf32, #tpu.memory_space<vmem>>, vector<16xf32>,
      %parallel_loop3A_212 = arith.constant 2 : i32
      %parallel_loop3A_213 = arith.muli %parallel_loop3A_212, %parallel_loop3A_207 : i32
      %parallel_loop3A_214 = arith.constant 16 : i32
      %parallel_loop3A_215 = arith.addi %parallel_loop3A_213, %parallel_loop3A_214 : i32
      %parallel_loop3A_216 = arith.index_cast %parallel_loop3A_215 : i32 to index
      %parallel_loop3A_217 = tpu.vector_load %arg5[%parallel_loop3A_216] {strides = array<i32>} : memref<33792xf32, #tpu.memory_space<vmem>>, vector<16xf32>,
      %parallel_loop3A_218 = arith.addf %parallel_loop3A_211, %parallel_loop3A_217 : vector<16xf32>
      %parallel_loop3A_219 = arith.index_cast %parallel_loop3A_207 : i32 to index
      %parallel_loop3A_220 = tpu.vector_load %arg7[%parallel_loop3A_219] {strides = array<i32>} : memref<16896xf32, #tpu.memory_space<vmem>>, vector<16xf32>,
      tpu.vector_store %arg7[%parallel_loop3A_219], %parallel_loop3A_218 {strides = array<i32>} : memref<16896xf32, #tpu.memory_space<vmem>>, vector<16xf32>,
    } {sc.loop_unroll_factor = 8 : i64, sc.parallel_access}
    %add3A_69 = arith.constant 50688 : i32
    %add3A_70 = arith.addi %mul3A_2, %add3A_69 : i32
    %dma_start3A_71 = tpu.memref_slice %arg3[%add3A_70] : memref<6488064xf32, #tpu.memory_space<hbm>> -> memref<16896xf32, #tpu.memory_space<hbm>>
    %dma_start3A_72 = tpu.memref_slice %arg3[%add3A_70] : memref<6488064xf32, #tpu.memory_space<hbm>> -> memref<16896xf32, #tpu.memory_space<hbm>>
    tpu.enqueue_dma source(%arg7 : memref<16896xf32, #tpu.memory_space<vmem>>) target(%dma_start3A_72 : memref<16896xf32, #tpu.memory_space<hbm>>) target_semaphore(%arg11 : memref<!tpu.dma_semaphore, #tpu.memory_space<semaphore_mem>>)
    %add3A_73 = arith.constant 84480 : i32
    %add3A_74 = arith.addi %mul3A_2, %add3A_73 : i32
    %mul3A_75 = arith.constant 2 : i32
    %mul3A_76 = arith.muli %mul3A_75, %add3A_74 : i32
    %dma_start3A_77 = tpu.memref_slice %arg2[%mul3A_76] : memref<12976128xf32, #tpu.memory_space<hbm>> -> memref<33792xf32, #tpu.memory_space<hbm>>
    %dma_start3A_78 = tpu.memref_slice %arg2[%mul3A_76] : memref<12976128xf32, #tpu.memory_space<hbm>> -> memref<33792xf32, #tpu.memory_space<hbm>>
    tpu.enqueue_dma source(%dma_start3A_78 : memref<33792xf32, #tpu.memory_space<hbm>>) target(%arg5 : memref<33792xf32, #tpu.memory_space<vmem>>) target_semaphore(%arg9 : memref<!tpu.dma_semaphore, #tpu.memory_space<semaphore_mem>>)
    %dma_wait3A_79 = tpu.memref_slice %arg2[%mul3A_59] : memref<12976128xf32, #tpu.memory_space<hbm>> -> memref<33792xf32, #tpu.memory_space<hbm>>
    %dma_wait3A_80 = tpu.memref_slice %arg2[%mul3A_59] : memref<12976128xf32, #tpu.memory_space<hbm>> -> memref<33792xf32, #tpu.memory_space<hbm>>
    tpu.wait_dma2 semaphore(%arg8 : memref<!tpu.dma_semaphore, #tpu.memory_space<semaphore_mem>>) src(%dma_wait3A_80 : memref<33792xf32, #tpu.memory_space<hbm>>) dst(%arg4 : memref<33792xf32, #tpu.memory_space<vmem>>)
    %dma_wait3A_81 = tpu.memref_slice %arg3[%add3A_53] : memref<6488064xf32, #tpu.memory_space<hbm>> -> memref<16896xf32, #tpu.memory_space<hbm>>
    %dma_wait3A_82 = tpu.memref_slice %arg3[%add3A_53] : memref<6488064xf32, #tpu.memory_space<hbm>> -> memref<16896xf32, #tpu.memory_space<hbm>>
    tpu.wait_dma2 semaphore(%arg10 : memref<!tpu.dma_semaphore, #tpu.memory_space<semaphore_mem>>) src(%arg6 : memref<16896xf32, #tpu.memory_space<vmem>>) dst(%dma_wait3A_82 : memref<16896xf32, #tpu.memory_space<hbm>>)
    %parallel_loop3A_83 = arith.constant 0 : i32
    %parallel_loop3A_84 = arith.constant 16896 : i32
    %parallel_loop3A_85 = arith.constant 16 : i32
    scf.for %parallel_loop3A_207 = %parallel_loop3A_83 to %parallel_loop3A_84 step %parallel_loop3A_85  : i32 {
      %parallel_loop3A_208 = arith.constant 2 : i32
      %parallel_loop3A_209 = arith.muli %parallel_loop3A_208, %parallel_loop3A_207 : i32
      %parallel_loop3A_210 = arith.index_cast %parallel_loop3A_209 : i32 to index
      %parallel_loop3A_211 = tpu.vector_load %arg4[%parallel_loop3A_210] {strides = array<i32>} : memref<33792xf32, #tpu.memory_space<vmem>>, vector<16xf32>,
      %parallel_loop3A_212 = arith.constant 2 : i32
      %parallel_loop3A_213 = arith.muli %parallel_loop3A_212, %parallel_loop3A_207 : i32
      %parallel_loop3A_214 = arith.constant 16 : i32
      %parallel_loop3A_215 = arith.addi %parallel_loop3A_213, %parallel_loop3A_214 : i32
      %parallel_loop3A_216 = arith.index_cast %parallel_loop3A_215 : i32 to index
      %parallel_loop3A_217 = tpu.vector_load %arg4[%parallel_loop3A_216] {strides = array<i32>} : memref<33792xf32, #tpu.memory_space<vmem>>, vector<16xf32>,
      %parallel_loop3A_218 = arith.addf %parallel_loop3A_211, %parallel_loop3A_217 : vector<16xf32>
      %parallel_loop3A_219 = arith.index_cast %parallel_loop3A_207 : i32 to index
      %parallel_loop3A_220 = tpu.vector_load %arg6[%parallel_loop3A_219] {strides = array<i32>} : memref<16896xf32, #tpu.memory_space<vmem>>, vector<16xf32>,
      tpu.vector_store %arg6[%parallel_loop3A_219], %parallel_loop3A_218 {strides = array<i32>} : memref<16896xf32, #tpu.memory_space<vmem>>, vector<16xf32>,
    } {sc.loop_unroll_factor = 8 : i64, sc.parallel_access}
    %add3A_86 = arith.constant 67584 : i32
    %add3A_87 = arith.addi %mul3A_2, %add3A_86 : i32
    %dma_start3A_88 = tpu.memref_slice %arg3[%add3A_87] : memref<6488064xf32, #tpu.memory_space<hbm>> -> memref<16896xf32, #tpu.memory_space<hbm>>
    %dma_start3A_89 = tpu.memref_slice %arg3[%add3A_87] : memref<6488064xf32, #tpu.memory_space<hbm>> -> memref<16896xf32, #tpu.memory_space<hbm>>
    tpu.enqueue_dma source(%arg6 : memref<16896xf32, #tpu.memory_space<vmem>>) target(%dma_start3A_89 : memref<16896xf32, #tpu.memory_space<hbm>>) target_semaphore(%arg10 : memref<!tpu.dma_semaphore, #tpu.memory_space<semaphore_mem>>)
    %add3A_90 = arith.constant 101376 : i32
    %add3A_91 = arith.addi %mul3A_2, %add3A_90 : i32
    %mul3A_92 = arith.constant 2 : i32
    %mul3A_93 = arith.muli %mul3A_92, %add3A_91 : i32
    %dma_start3A_94 = tpu.memref_slice %arg2[%mul3A_93] : memref<12976128xf32, #tpu.memory_space<hbm>> -> memref<33792xf32, #tpu.memory_space<hbm>>
    %dma_start3A_95 = tpu.memref_slice %arg2[%mul3A_93] : memref<12976128xf32, #tpu.memory_space<hbm>> -> memref<33792xf32, #tpu.memory_space<hbm>>
    tpu.enqueue_dma source(%dma_start3A_95 : memref<33792xf32, #tpu.memory_space<hbm>>) target(%arg4 : memref<33792xf32, #tpu.memory_space<vmem>>) target_semaphore(%arg8 : memref<!tpu.dma_semaphore, #tpu.memory_space<semaphore_mem>>)
    %dma_wait3A_96 = tpu.memref_slice %arg2[%mul3A_76] : memref<12976128xf32, #tpu.memory_space<hbm>> -> memref<33792xf32, #tpu.memory_space<hbm>>
    %dma_wait3A_97 = tpu.memref_slice %arg2[%mul3A_76] : memref<12976128xf32, #tpu.memory_space<hbm>> -> memref<33792xf32, #tpu.memory_space<hbm>>
    tpu.wait_dma2 semaphore(%arg9 : memref<!tpu.dma_semaphore, #tpu.memory_space<semaphore_mem>>) src(%dma_wait3A_97 : memref<33792xf32, #tpu.memory_space<hbm>>) dst(%arg5 : memref<33792xf32, #tpu.memory_space<vmem>>)
    %dma_wait3A_98 = tpu.memref_slice %arg3[%add3A_70] : memref<6488064xf32, #tpu.memory_space<hbm>> -> memref<16896xf32, #tpu.memory_space<hbm>>
    %dma_wait3A_99 = tpu.memref_slice %arg3[%add3A_70] : memref<6488064xf32, #tpu.memory_space<hbm>> -> memref<16896xf32, #tpu.memory_space<hbm>>
    tpu.wait_dma2 semaphore(%arg11 : memref<!tpu.dma_semaphore, #tpu.memory_space<semaphore_mem>>) src(%arg7 : memref<16896xf32, #tpu.memory_space<vmem>>) dst(%dma_wait3A_99 : memref<16896xf32, #tpu.memory_space<hbm>>)
    %parallel_loop3A_100 = arith.constant 0 : i32
    %parallel_loop3A_101 = arith.constant 16896 : i32
    %parallel_loop3A_102 = arith.constant 16 : i32
    scf.for %parallel_loop3A_207 = %parallel_loop3A_100 to %parallel_loop3A_101 step %parallel_loop3A_102  : i32 {
      %parallel_loop3A_208 = arith.constant 2 : i32
      %parallel_loop3A_209 = arith.muli %parallel_loop3A_208, %parallel_loop3A_207 : i32
      %parallel_loop3A_210 = arith.index_cast %parallel_loop3A_209 : i32 to index
      %parallel_loop3A_211 = tpu.vector_load %arg5[%parallel_loop3A_210] {strides = array<i32>} : memref<33792xf32, #tpu.memory_space<vmem>>, vector<16xf32>,
      %parallel_loop3A_212 = arith.constant 2 : i32
      %parallel_loop3A_213 = arith.muli %parallel_loop3A_212, %parallel_loop3A_207 : i32
      %parallel_loop3A_214 = arith.constant 16 : i32
      %parallel_loop3A_215 = arith.addi %parallel_loop3A_213, %parallel_loop3A_214 : i32
      %parallel_loop3A_216 = arith.index_cast %parallel_loop3A_215 : i32 to index
      %parallel_loop3A_217 = tpu.vector_load %arg5[%parallel_loop3A_216] {strides = array<i32>} : memref<33792xf32, #tpu.memory_space<vmem>>, vector<16xf32>,
      %parallel_loop3A_218 = arith.addf %parallel_loop3A_211, %parallel_loop3A_217 : vector<16xf32>
      %parallel_loop3A_219 = arith.index_cast %parallel_loop3A_207 : i32 to index
      %parallel_loop3A_220 = tpu.vector_load %arg7[%parallel_loop3A_219] {strides = array<i32>} : memref<16896xf32, #tpu.memory_space<vmem>>, vector<16xf32>,
      tpu.vector_store %arg7[%parallel_loop3A_219], %parallel_loop3A_218 {strides = array<i32>} : memref<16896xf32, #tpu.memory_space<vmem>>, vector<16xf32>,
    } {sc.loop_unroll_factor = 8 : i64, sc.parallel_access}
    %add3A_103 = arith.constant 84480 : i32
    %add3A_104 = arith.addi %mul3A_2, %add3A_103 : i32
    %dma_start3A_105 = tpu.memref_slice %arg3[%add3A_104] : memref<6488064xf32, #tpu.memory_space<hbm>> -> memref<16896xf32, #tpu.memory_space<hbm>>
    %dma_start3A_106 = tpu.memref_slice %arg3[%add3A_104] : memref<6488064xf32, #tpu.memory_space<hbm>> -> memref<16896xf32, #tpu.memory_space<hbm>>
    tpu.enqueue_dma source(%arg7 : memref<16896xf32, #tpu.memory_space<vmem>>) target(%dma_start3A_106 : memref<16896xf32, #tpu.memory_space<hbm>>) target_semaphore(%arg11 : memref<!tpu.dma_semaphore, #tpu.memory_space<semaphore_mem>>)
    %add3A_107 = arith.constant 118272 : i32
    %add3A_108 = arith.addi %mul3A_2, %add3A_107 : i32
    %mul3A_109 = arith.constant 2 : i32
    %mul3A_110 = arith.muli %mul3A_109, %add3A_108 : i32
    %dma_start3A_111 = tpu.memref_slice %arg2[%mul3A_110] : memref<12976128xf32, #tpu.memory_space<hbm>> -> memref<33792xf32, #tpu.memory_space<hbm>>
    %dma_start3A_112 = tpu.memref_slice %arg2[%mul3A_110] : memref<12976128xf32, #tpu.memory_space<hbm>> -> memref<33792xf32, #tpu.memory_space<hbm>>
    tpu.enqueue_dma source(%dma_start3A_112 : memref<33792xf32, #tpu.memory_space<hbm>>) target(%arg5 : memref<33792xf32, #tpu.memory_space<vmem>>) target_semaphore(%arg9 : memref<!tpu.dma_semaphore, #tpu.memory_space<semaphore_mem>>)
    %dma_wait3A_113 = tpu.memref_slice %arg2[%mul3A_93] : memref<12976128xf32, #tpu.memory_space<hbm>> -> memref<33792xf32, #tpu.memory_space<hbm>>
    %dma_wait3A_114 = tpu.memref_slice %arg2[%mul3A_93] : memref<12976128xf32, #tpu.memory_space<hbm>> -> memref<33792xf32, #tpu.memory_space<hbm>>
    tpu.wait_dma2 semaphore(%arg8 : memref<!tpu.dma_semaphore, #tpu.memory_space<semaphore_mem>>) src(%dma_wait3A_114 : memref<33792xf32, #tpu.memory_space<hbm>>) dst(%arg4 : memref<33792xf32, #tpu.memory_space<vmem>>)
    %dma_wait3A_115 = tpu.memref_slice %arg3[%add3A_87] : memref<6488064xf32, #tpu.memory_space<hbm>> -> memref<16896xf32, #tpu.memory_space<hbm>>
    %dma_wait3A_116 = tpu.memref_slice %arg3[%add3A_87] : memref<6488064xf32, #tpu.memory_space<hbm>> -> memref<16896xf32, #tpu.memory_space<hbm>>
    tpu.wait_dma2 semaphore(%arg10 : memref<!tpu.dma_semaphore, #tpu.memory_space<semaphore_mem>>) src(%arg6 : memref<16896xf32, #tpu.memory_space<vmem>>) dst(%dma_wait3A_116 : memref<16896xf32, #tpu.memory_space<hbm>>)
    %parallel_loop3A_117 = arith.constant 0 : i32
    %parallel_loop3A_118 = arith.constant 16896 : i32
    %parallel_loop3A_119 = arith.constant 16 : i32
    scf.for %parallel_loop3A_207 = %parallel_loop3A_117 to %parallel_loop3A_118 step %parallel_loop3A_119  : i32 {
      %parallel_loop3A_208 = arith.constant 2 : i32
      %parallel_loop3A_209 = arith.muli %parallel_loop3A_208, %parallel_loop3A_207 : i32
      %parallel_loop3A_210 = arith.index_cast %parallel_loop3A_209 : i32 to index
      %parallel_loop3A_211 = tpu.vector_load %arg4[%parallel_loop3A_210] {strides = array<i32>} : memref<33792xf32, #tpu.memory_space<vmem>>, vector<16xf32>,
      %parallel_loop3A_212 = arith.constant 2 : i32
      %parallel_loop3A_213 = arith.muli %parallel_loop3A_212, %parallel_loop3A_207 : i32
      %parallel_loop3A_214 = arith.constant 16 : i32
      %parallel_loop3A_215 = arith.addi %parallel_loop3A_213, %parallel_loop3A_214 : i32
      %parallel_loop3A_216 = arith.index_cast %parallel_loop3A_215 : i32 to index
      %parallel_loop3A_217 = tpu.vector_load %arg4[%parallel_loop3A_216] {strides = array<i32>} : memref<33792xf32, #tpu.memory_space<vmem>>, vector<16xf32>,
      %parallel_loop3A_218 = arith.addf %parallel_loop3A_211, %parallel_loop3A_217 : vector<16xf32>
      %parallel_loop3A_219 = arith.index_cast %parallel_loop3A_207 : i32 to index
      %parallel_loop3A_220 = tpu.vector_load %arg6[%parallel_loop3A_219] {strides = array<i32>} : memref<16896xf32, #tpu.memory_space<vmem>>, vector<16xf32>,
      tpu.vector_store %arg6[%parallel_loop3A_219], %parallel_loop3A_218 {strides = array<i32>} : memref<16896xf32, #tpu.memory_space<vmem>>, vector<16xf32>,
    } {sc.loop_unroll_factor = 8 : i64, sc.parallel_access}
    %add3A_120 = arith.constant 101376 : i32
    %add3A_121 = arith.addi %mul3A_2, %add3A_120 : i32
    %dma_start3A_122 = tpu.memref_slice %arg3[%add3A_121] : memref<6488064xf32, #tpu.memory_space<hbm>> -> memref<16896xf32, #tpu.memory_space<hbm>>
    %dma_start3A_123 = tpu.memref_slice %arg3[%add3A_121] : memref<6488064xf32, #tpu.memory_space<hbm>> -> memref<16896xf32, #tpu.memory_space<hbm>>
    tpu.enqueue_dma source(%arg6 : memref<16896xf32, #tpu.memory_space<vmem>>) target(%dma_start3A_123 : memref<16896xf32, #tpu.memory_space<hbm>>) target_semaphore(%arg10 : memref<!tpu.dma_semaphore, #tpu.memory_space<semaphore_mem>>)
    %add3A_124 = arith.constant 135168 : i32
    %add3A_125 = arith.addi %mul3A_2, %add3A_124 : i32
    %mul3A_126 = arith.constant 2 : i32
    %mul3A_127 = arith.muli %mul3A_126, %add3A_125 : i32
    %dma_start3A_128 = tpu.memref_slice %arg2[%mul3A_127] : memref<12976128xf32, #tpu.memory_space<hbm>> -> memref<33792xf32, #tpu.memory_space<hbm>>
    %dma_start3A_129 = tpu.memref_slice %arg2[%mul3A_127] : memref<12976128xf32, #tpu.memory_space<hbm>> -> memref<33792xf32, #tpu.memory_space<hbm>>
    tpu.enqueue_dma source(%dma_start3A_129 : memref<33792xf32, #tpu.memory_space<hbm>>) target(%arg4 : memref<33792xf32, #tpu.memory_space<vmem>>) target_semaphore(%arg8 : memref<!tpu.dma_semaphore, #tpu.memory_space<semaphore_mem>>)
    %dma_wait3A_130 = tpu.memref_slice %arg2[%mul3A_110] : memref<12976128xf32, #tpu.memory_space<hbm>> -> memref<33792xf32, #tpu.memory_space<hbm>>
    %dma_wait3A_131 = tpu.memref_slice %arg2[%mul3A_110] : memref<12976128xf32, #tpu.memory_space<hbm>> -> memref<33792xf32, #tpu.memory_space<hbm>>
    tpu.wait_dma2 semaphore(%arg9 : memref<!tpu.dma_semaphore, #tpu.memory_space<semaphore_mem>>) src(%dma_wait3A_131 : memref<33792xf32, #tpu.memory_space<hbm>>) dst(%arg5 : memref<33792xf32, #tpu.memory_space<vmem>>)
    %dma_wait3A_132 = tpu.memref_slice %arg3[%add3A_104] : memref<6488064xf32, #tpu.memory_space<hbm>> -> memref<16896xf32, #tpu.memory_space<hbm>>
    %dma_wait3A_133 = tpu.memref_slice %arg3[%add3A_104] : memref<6488064xf32, #tpu.memory_space<hbm>> -> memref<16896xf32, #tpu.memory_space<hbm>>
    tpu.wait_dma2 semaphore(%arg11 : memref<!tpu.dma_semaphore, #tpu.memory_space<semaphore_mem>>) src(%arg7 : memref<16896xf32, #tpu.memory_space<vmem>>) dst(%dma_wait3A_133 : memref<16896xf32, #tpu.memory_space<hbm>>)
    %parallel_loop3A_134 = arith.constant 0 : i32
    %parallel_loop3A_135 = arith.constant 16896 : i32
    %parallel_loop3A_136 = arith.constant 16 : i32
    scf.for %parallel_loop3A_207 = %parallel_loop3A_134 to %parallel_loop3A_135 step %parallel_loop3A_136  : i32 {
      %parallel_loop3A_208 = arith.constant 2 : i32
      %parallel_loop3A_209 = arith.muli %parallel_loop3A_208, %parallel_loop3A_207 : i32
      %parallel_loop3A_210 = arith.index_cast %parallel_loop3A_209 : i32 to index
      %parallel_loop3A_211 = tpu.vector_load %arg5[%parallel_loop3A_210] {strides = array<i32>} : memref<33792xf32, #tpu.memory_space<vmem>>, vector<16xf32>,
      %parallel_loop3A_212 = arith.constant 2 : i32
      %parallel_loop3A_213 = arith.muli %parallel_loop3A_212, %parallel_loop3A_207 : i32
      %parallel_loop3A_214 = arith.constant 16 : i32
      %parallel_loop3A_215 = arith.addi %parallel_loop3A_213, %parallel_loop3A_214 : i32
      %parallel_loop3A_216 = arith.index_cast %parallel_loop3A_215 : i32 to index
      %parallel_loop3A_217 = tpu.vector_load %arg5[%parallel_loop3A_216] {strides = array<i32>} : memref<33792xf32, #tpu.memory_space<vmem>>, vector<16xf32>,
      %parallel_loop3A_218 = arith.addf %parallel_loop3A_211, %parallel_loop3A_217 : vector<16xf32>
      %parallel_loop3A_219 = arith.index_cast %parallel_loop3A_207 : i32 to index
      %parallel_loop3A_220 = tpu.vector_load %arg7[%parallel_loop3A_219] {strides = array<i32>} : memref<16896xf32, #tpu.memory_space<vmem>>, vector<16xf32>,
      tpu.vector_store %arg7[%parallel_loop3A_219], %parallel_loop3A_218 {strides = array<i32>} : memref<16896xf32, #tpu.memory_space<vmem>>, vector<16xf32>,
    } {sc.loop_unroll_factor = 8 : i64, sc.parallel_access}
    %add3A_137 = arith.constant 118272 : i32
    %add3A_138 = arith.addi %mul3A_2, %add3A_137 : i32
    %dma_start3A_139 = tpu.memref_slice %arg3[%add3A_138] : memref<6488064xf32, #tpu.memory_space<hbm>> -> memref<16896xf32, #tpu.memory_space<hbm>>
    %dma_start3A_140 = tpu.memref_slice %arg3[%add3A_138] : memref<6488064xf32, #tpu.memory_space<hbm>> -> memref<16896xf32, #tpu.memory_space<hbm>>
    tpu.enqueue_dma source(%arg7 : memref<16896xf32, #tpu.memory_space<vmem>>) target(%dma_start3A_140 : memref<16896xf32, #tpu.memory_space<hbm>>) target_semaphore(%arg11 : memref<!tpu.dma_semaphore, #tpu.memory_space<semaphore_mem>>)
    %add3A_141 = arith.constant 152064 : i32
    %add3A_142 = arith.addi %mul3A_2, %add3A_141 : i32
    %mul3A_143 = arith.constant 2 : i32
    %mul3A_144 = arith.muli %mul3A_143, %add3A_142 : i32
    %dma_start3A_145 = tpu.memref_slice %arg2[%mul3A_144] : memref<12976128xf32, #tpu.memory_space<hbm>> -> memref<33792xf32, #tpu.memory_space<hbm>>
    %dma_start3A_146 = tpu.memref_slice %arg2[%mul3A_144] : memref<12976128xf32, #tpu.memory_space<hbm>> -> memref<33792xf32, #tpu.memory_space<hbm>>
    tpu.enqueue_dma source(%dma_start3A_146 : memref<33792xf32, #tpu.memory_space<hbm>>) target(%arg5 : memref<33792xf32, #tpu.memory_space<vmem>>) target_semaphore(%arg9 : memref<!tpu.dma_semaphore, #tpu.memory_space<semaphore_mem>>)
    %dma_wait3A_147 = tpu.memref_slice %arg2[%mul3A_127] : memref<12976128xf32, #tpu.memory_space<hbm>> -> memref<33792xf32, #tpu.memory_space<hbm>>
    %dma_wait3A_148 = tpu.memref_slice %arg2[%mul3A_127] : memref<12976128xf32, #tpu.memory_space<hbm>> -> memref<33792xf32, #tpu.memory_space<hbm>>
    tpu.wait_dma2 semaphore(%arg8 : memref<!tpu.dma_semaphore, #tpu.memory_space<semaphore_mem>>) src(%dma_wait3A_148 : memref<33792xf32, #tpu.memory_space<hbm>>) dst(%arg4 : memref<33792xf32, #tpu.memory_space<vmem>>)
    %dma_wait3A_149 = tpu.memref_slice %arg3[%add3A_121] : memref<6488064xf32, #tpu.memory_space<hbm>> -> memref<16896xf32, #tpu.memory_space<hbm>>
    %dma_wait3A_150 = tpu.memref_slice %arg3[%add3A_121] : memref<6488064xf32, #tpu.memory_space<hbm>> -> memref<16896xf32, #tpu.memory_space<hbm>>
    tpu.wait_dma2 semaphore(%arg10 : memref<!tpu.dma_semaphore, #tpu.memory_space<semaphore_mem>>) src(%arg6 : memref<16896xf32, #tpu.memory_space<vmem>>) dst(%dma_wait3A_150 : memref<16896xf32, #tpu.memory_space<hbm>>)
    %parallel_loop3A_151 = arith.constant 0 : i32
    %parallel_loop3A_152 = arith.constant 16896 : i32
    %parallel_loop3A_153 = arith.constant 16 : i32
    scf.for %parallel_loop3A_207 = %parallel_loop3A_151 to %parallel_loop3A_152 step %parallel_loop3A_153  : i32 {
      %parallel_loop3A_208 = arith.constant 2 : i32
      %parallel_loop3A_209 = arith.muli %parallel_loop3A_208, %parallel_loop3A_207 : i32
      %parallel_loop3A_210 = arith.index_cast %parallel_loop3A_209 : i32 to index
      %parallel_loop3A_211 = tpu.vector_load %arg4[%parallel_loop3A_210] {strides = array<i32>} : memref<33792xf32, #tpu.memory_space<vmem>>, vector<16xf32>,
      %parallel_loop3A_212 = arith.constant 2 : i32
      %parallel_loop3A_213 = arith.muli %parallel_loop3A_212, %parallel_loop3A_207 : i32
      %parallel_loop3A_214 = arith.constant 16 : i32
      %parallel_loop3A_215 = arith.addi %parallel_loop3A_213, %parallel_loop3A_214 : i32
      %parallel_loop3A_216 = arith.index_cast %parallel_loop3A_215 : i32 to index
      %parallel_loop3A_217 = tpu.vector_load %arg4[%parallel_loop3A_216] {strides = array<i32>} : memref<33792xf32, #tpu.memory_space<vmem>>, vector<16xf32>,
      %parallel_loop3A_218 = arith.addf %parallel_loop3A_211, %parallel_loop3A_217 : vector<16xf32>
      %parallel_loop3A_219 = arith.index_cast %parallel_loop3A_207 : i32 to index
      %parallel_loop3A_220 = tpu.vector_load %arg6[%parallel_loop3A_219] {strides = array<i32>} : memref<16896xf32, #tpu.memory_space<vmem>>, vector<16xf32>,
      tpu.vector_store %arg6[%parallel_loop3A_219], %parallel_loop3A_218 {strides = array<i32>} : memref<16896xf32, #tpu.memory_space<vmem>>, vector<16xf32>,
    } {sc.loop_unroll_factor = 8 : i64, sc.parallel_access}
    %add3A_154 = arith.constant 135168 : i32
    %add3A_155 = arith.addi %mul3A_2, %add3A_154 : i32
    %dma_start3A_156 = tpu.memref_slice %arg3[%add3A_155] : memref<6488064xf32, #tpu.memory_space<hbm>> -> memref<16896xf32, #tpu.memory_space<hbm>>
    %dma_start3A_157 = tpu.memref_slice %arg3[%add3A_155] : memref<6488064xf32, #tpu.memory_space<hbm>> -> memref<16896xf32, #tpu.memory_space<hbm>>
    tpu.enqueue_dma source(%arg6 : memref<16896xf32, #tpu.memory_space<vmem>>) target(%dma_start3A_157 : memref<16896xf32, #tpu.memory_space<hbm>>) target_semaphore(%arg10 : memref<!tpu.dma_semaphore, #tpu.memory_space<semaphore_mem>>)
    %add3A_158 = arith.constant 168960 : i32
    %add3A_159 = arith.addi %mul3A_2, %add3A_158 : i32
    %mul3A_160 = arith.constant 2 : i32
    %mul3A_161 = arith.muli %mul3A_160, %add3A_159 : i32
    %dma_start3A_162 = tpu.memref_slice %arg2[%mul3A_161] : memref<12976128xf32, #tpu.memory_space<hbm>> -> memref<33792xf32, #tpu.memory_space<hbm>>
    %dma_start3A_163 = tpu.memref_slice %arg2[%mul3A_161] : memref<12976128xf32, #tpu.memory_space<hbm>> -> memref<33792xf32, #tpu.memory_space<hbm>>
    tpu.enqueue_dma source(%dma_start3A_163 : memref<33792xf32, #tpu.memory_space<hbm>>) target(%arg4 : memref<33792xf32, #tpu.memory_space<vmem>>) target_semaphore(%arg8 : memref<!tpu.dma_semaphore, #tpu.memory_space<semaphore_mem>>)
    %dma_wait3A_164 = tpu.memref_slice %arg2[%mul3A_144] : memref<12976128xf32, #tpu.memory_space<hbm>> -> memref<33792xf32, #tpu.memory_space<hbm>>
    %dma_wait3A_165 = tpu.memref_slice %arg2[%mul3A_144] : memref<12976128xf32, #tpu.memory_space<hbm>> -> memref<33792xf32, #tpu.memory_space<hbm>>
    tpu.wait_dma2 semaphore(%arg9 : memref<!tpu.dma_semaphore, #tpu.memory_space<semaphore_mem>>) src(%dma_wait3A_165 : memref<33792xf32, #tpu.memory_space<hbm>>) dst(%arg5 : memref<33792xf32, #tpu.memory_space<vmem>>)
    %dma_wait3A_166 = tpu.memref_slice %arg3[%add3A_138] : memref<6488064xf32, #tpu.memory_space<hbm>> -> memref<16896xf32, #tpu.memory_space<hbm>>
    %dma_wait3A_167 = tpu.memref_slice %arg3[%add3A_138] : memref<6488064xf32, #tpu.memory_space<hbm>> -> memref<16896xf32, #tpu.memory_space<hbm>>
    tpu.wait_dma2 semaphore(%arg11 : memref<!tpu.dma_semaphore, #tpu.memory_space<semaphore_mem>>) src(%arg7 : memref<16896xf32, #tpu.memory_space<vmem>>) dst(%dma_wait3A_167 : memref<16896xf32, #tpu.memory_space<hbm>>)
    %parallel_loop3A_168 = arith.constant 0 : i32
    %parallel_loop3A_169 = arith.constant 16896 : i32
    %parallel_loop3A_170 = arith.constant 16 : i32
    scf.for %parallel_loop3A_207 = %parallel_loop3A_168 to %parallel_loop3A_169 step %parallel_loop3A_170  : i32 {
      %parallel_loop3A_208 = arith.constant 2 : i32
      %parallel_loop3A_209 = arith.muli %parallel_loop3A_208, %parallel_loop3A_207 : i32
      %parallel_loop3A_210 = arith.index_cast %parallel_loop3A_209 : i32 to index
      %parallel_loop3A_211 = tpu.vector_load %arg5[%parallel_loop3A_210] {strides = array<i32>} : memref<33792xf32, #tpu.memory_space<vmem>>, vector<16xf32>,
      %parallel_loop3A_212 = arith.constant 2 : i32
      %parallel_loop3A_213 = arith.muli %parallel_loop3A_212, %parallel_loop3A_207 : i32
      %parallel_loop3A_214 = arith.constant 16 : i32
      %parallel_loop3A_215 = arith.addi %parallel_loop3A_213, %parallel_loop3A_214 : i32
      %parallel_loop3A_216 = arith.index_cast %parallel_loop3A_215 : i32 to index
      %parallel_loop3A_217 = tpu.vector_load %arg5[%parallel_loop3A_216] {strides = array<i32>} : memref<33792xf32, #tpu.memory_space<vmem>>, vector<16xf32>,
      %parallel_loop3A_218 = arith.addf %parallel_loop3A_211, %parallel_loop3A_217 : vector<16xf32>
      %parallel_loop3A_219 = arith.index_cast %parallel_loop3A_207 : i32 to index
      %parallel_loop3A_220 = tpu.vector_load %arg7[%parallel_loop3A_219] {strides = array<i32>} : memref<16896xf32, #tpu.memory_space<vmem>>, vector<16xf32>,
      tpu.vector_store %arg7[%parallel_loop3A_219], %parallel_loop3A_218 {strides = array<i32>} : memref<16896xf32, #tpu.memory_space<vmem>>, vector<16xf32>,
    } {sc.loop_unroll_factor = 8 : i64, sc.parallel_access}
    %add3A_171 = arith.constant 152064 : i32
    %add3A_172 = arith.addi %mul3A_2, %add3A_171 : i32
    %dma_start3A_173 = tpu.memref_slice %arg3[%add3A_172] : memref<6488064xf32, #tpu.memory_space<hbm>> -> memref<16896xf32, #tpu.memory_space<hbm>>
    %dma_start3A_174 = tpu.memref_slice %arg3[%add3A_172] : memref<6488064xf32, #tpu.memory_space<hbm>> -> memref<16896xf32, #tpu.memory_space<hbm>>
    tpu.enqueue_dma source(%arg7 : memref<16896xf32, #tpu.memory_space<vmem>>) target(%dma_start3A_174 : memref<16896xf32, #tpu.memory_space<hbm>>) target_semaphore(%arg11 : memref<!tpu.dma_semaphore, #tpu.memory_space<semaphore_mem>>)
    %add3A_175 = arith.constant 185856 : i32
    %add3A_176 = arith.addi %mul3A_2, %add3A_175 : i32
    %mul3A_177 = arith.constant 2 : i32
    %mul3A_178 = arith.muli %mul3A_177, %add3A_176 : i32
    %dma_start3A_179 = tpu.memref_slice %arg2[%mul3A_178] : memref<12976128xf32, #tpu.memory_space<hbm>> -> memref<33792xf32, #tpu.memory_space<hbm>>
    %dma_start3A_180 = tpu.memref_slice %arg2[%mul3A_178] : memref<12976128xf32, #tpu.memory_space<hbm>> -> memref<33792xf32, #tpu.memory_space<hbm>>
    tpu.enqueue_dma source(%dma_start3A_180 : memref<33792xf32, #tpu.memory_space<hbm>>) target(%arg5 : memref<33792xf32, #tpu.memory_space<vmem>>) target_semaphore(%arg9 : memref<!tpu.dma_semaphore, #tpu.memory_space<semaphore_mem>>)
    %dma_wait3A_181 = tpu.memref_slice %arg2[%mul3A_161] : memref<12976128xf32, #tpu.memory_space<hbm>> -> memref<33792xf32, #tpu.memory_space<hbm>>
    %dma_wait3A_182 = tpu.memref_slice %arg2[%mul3A_161] : memref<12976128xf32, #tpu.memory_space<hbm>> -> memref<33792xf32, #tpu.memory_space<hbm>>
    tpu.wait_dma2 semaphore(%arg8 : memref<!tpu.dma_semaphore, #tpu.memory_space<semaphore_mem>>) src(%dma_wait3A_182 : memref<33792xf32, #tpu.memory_space<hbm>>) dst(%arg4 : memref<33792xf32, #tpu.memory_space<vmem>>)
    %dma_wait3A_183 = tpu.memref_slice %arg3[%add3A_155] : memref<6488064xf32, #tpu.memory_space<hbm>> -> memref<16896xf32, #tpu.memory_space<hbm>>
    %dma_wait3A_184 = tpu.memref_slice %arg3[%add3A_155] : memref<6488064xf32, #tpu.memory_space<hbm>> -> memref<16896xf32, #tpu.memory_space<hbm>>
    tpu.wait_dma2 semaphore(%arg10 : memref<!tpu.dma_semaphore, #tpu.memory_space<semaphore_mem>>) src(%arg6 : memref<16896xf32, #tpu.memory_space<vmem>>) dst(%dma_wait3A_184 : memref<16896xf32, #tpu.memory_space<hbm>>)
    %parallel_loop3A_185 = arith.constant 0 : i32
    %parallel_loop3A_186 = arith.constant 16896 : i32
    %parallel_loop3A_187 = arith.constant 16 : i32
    scf.for %parallel_loop3A_207 = %parallel_loop3A_185 to %parallel_loop3A_186 step %parallel_loop3A_187  : i32 {
      %parallel_loop3A_208 = arith.constant 2 : i32
      %parallel_loop3A_209 = arith.muli %parallel_loop3A_208, %parallel_loop3A_207 : i32
      %parallel_loop3A_210 = arith.index_cast %parallel_loop3A_209 : i32 to index
      %parallel_loop3A_211 = tpu.vector_load %arg4[%parallel_loop3A_210] {strides = array<i32>} : memref<33792xf32, #tpu.memory_space<vmem>>, vector<16xf32>,
      %parallel_loop3A_212 = arith.constant 2 : i32
      %parallel_loop3A_213 = arith.muli %parallel_loop3A_212, %parallel_loop3A_207 : i32
      %parallel_loop3A_214 = arith.constant 16 : i32
      %parallel_loop3A_215 = arith.addi %parallel_loop3A_213, %parallel_loop3A_214 : i32
      %parallel_loop3A_216 = arith.index_cast %parallel_loop3A_215 : i32 to index
      %parallel_loop3A_217 = tpu.vector_load %arg4[%parallel_loop3A_216] {strides = array<i32>} : memref<33792xf32, #tpu.memory_space<vmem>>, vector<16xf32>,
      %parallel_loop3A_218 = arith.addf %parallel_loop3A_211, %parallel_loop3A_217 : vector<16xf32>
      %parallel_loop3A_219 = arith.index_cast %parallel_loop3A_207 : i32 to index
      %parallel_loop3A_220 = tpu.vector_load %arg6[%parallel_loop3A_219] {strides = array<i32>} : memref<16896xf32, #tpu.memory_space<vmem>>, vector<16xf32>,
      tpu.vector_store %arg6[%parallel_loop3A_219], %parallel_loop3A_218 {strides = array<i32>} : memref<16896xf32, #tpu.memory_space<vmem>>, vector<16xf32>,
    } {sc.loop_unroll_factor = 8 : i64, sc.parallel_access}
    %add3A_188 = arith.constant 168960 : i32
    %add3A_189 = arith.addi %mul3A_2, %add3A_188 : i32
    %dma_start3A_190 = tpu.memref_slice %arg3[%add3A_189] : memref<6488064xf32, #tpu.memory_space<hbm>> -> memref<16896xf32, #tpu.memory_space<hbm>>
    %dma_start3A_191 = tpu.memref_slice %arg3[%add3A_189] : memref<6488064xf32, #tpu.memory_space<hbm>> -> memref<16896xf32, #tpu.memory_space<hbm>>
    tpu.enqueue_dma source(%arg6 : memref<16896xf32, #tpu.memory_space<vmem>>) target(%dma_start3A_191 : memref<16896xf32, #tpu.memory_space<hbm>>) target_semaphore(%arg10 : memref<!tpu.dma_semaphore, #tpu.memory_space<semaphore_mem>>)
    %dma_wait3A_192 = tpu.memref_slice %arg2[%mul3A_178] : memref<12976128xf32, #tpu.memory_space<hbm>> -> memref<33792xf32, #tpu.memory_space<hbm>>
    %dma_wait3A_193 = tpu.memref_slice %arg2[%mul3A_178] : memref<12976128xf32, #tpu.memory_space<hbm>> -> memref<33792xf32, #tpu.memory_space<hbm>>
    tpu.wait_dma2 semaphore(%arg9 : memref<!tpu.dma_semaphore, #tpu.memory_space<semaphore_mem>>) src(%dma_wait3A_193 : memref<33792xf32, #tpu.memory_space<hbm>>) dst(%arg5 : memref<33792xf32, #tpu.memory_space<vmem>>)
    %dma_wait3A_194 = tpu.memref_slice %arg3[%add3A_172] : memref<6488064xf32, #tpu.memory_space<hbm>> -> memref<16896xf32, #tpu.memory_space<hbm>>
    %dma_wait3A_195 = tpu.memref_slice %arg3[%add3A_172] : memref<6488064xf32, #tpu.memory_space<hbm>> -> memref<16896xf32, #tpu.memory_space<hbm>>
    tpu.wait_dma2 semaphore(%arg11 : memref<!tpu.dma_semaphore, #tpu.memory_space<semaphore_mem>>) src(%arg7 : memref<16896xf32, #tpu.memory_space<vmem>>) dst(%dma_wait3A_195 : memref<16896xf32, #tpu.memory_space<hbm>>)
    %parallel_loop3A_196 = arith.constant 0 : i32
    %parallel_loop3A_197 = arith.constant 16896 : i32
    %parallel_loop3A_198 = arith.constant 16 : i32
    scf.for %parallel_loop3A_207 = %parallel_loop3A_196 to %parallel_loop3A_197 step %parallel_loop3A_198  : i32 {
      %parallel_loop3A_208 = arith.constant 2 : i32
      %parallel_loop3A_209 = arith.muli %parallel_loop3A_208, %parallel_loop3A_207 : i32
      %parallel_loop3A_210 = arith.index_cast %parallel_loop3A_209 : i32 to index
      %parallel_loop3A_211 = tpu.vector_load %arg5[%parallel_loop3A_210] {strides = array<i32>} : memref<33792xf32, #tpu.memory_space<vmem>>, vector<16xf32>,
      %parallel_loop3A_212 = arith.constant 2 : i32
      %parallel_loop3A_213 = arith.muli %parallel_loop3A_212, %parallel_loop3A_207 : i32
      %parallel_loop3A_214 = arith.constant 16 : i32
      %parallel_loop3A_215 = arith.addi %parallel_loop3A_213, %parallel_loop3A_214 : i32
      %parallel_loop3A_216 = arith.index_cast %parallel_loop3A_215 : i32 to index
      %parallel_loop3A_217 = tpu.vector_load %arg5[%parallel_loop3A_216] {strides = array<i32>} : memref<33792xf32, #tpu.memory_space<vmem>>, vector<16xf32>,
      %parallel_loop3A_218 = arith.addf %parallel_loop3A_211, %parallel_loop3A_217 : vector<16xf32>
      %parallel_loop3A_219 = arith.index_cast %parallel_loop3A_207 : i32 to index
      %parallel_loop3A_220 = tpu.vector_load %arg7[%parallel_loop3A_219] {strides = array<i32>} : memref<16896xf32, #tpu.memory_space<vmem>>, vector<16xf32>,
      tpu.vector_store %arg7[%parallel_loop3A_219], %parallel_loop3A_218 {strides = array<i32>} : memref<16896xf32, #tpu.memory_space<vmem>>, vector<16xf32>,
    } {sc.loop_unroll_factor = 8 : i64, sc.parallel_access}
    %add3A_199 = arith.constant 185856 : i32
    %add3A_200 = arith.addi %mul3A_2, %add3A_199 : i32
    %dma_start3A_201 = tpu.memref_slice %arg3[%add3A_200] : memref<6488064xf32, #tpu.memory_space<hbm>> -> memref<16896xf32, #tpu.memory_space<hbm>>
    %dma_start3A_202 = tpu.memref_slice %arg3[%add3A_200] : memref<6488064xf32, #tpu.memory_space<hbm>> -> memref<16896xf32, #tpu.memory_space<hbm>>
    tpu.enqueue_dma source(%arg7 : memref<16896xf32, #tpu.memory_space<vmem>>) target(%dma_start3A_202 : memref<16896xf32, #tpu.memory_space<hbm>>) target_semaphore(%arg11 : memref<!tpu.dma_semaphore, #tpu.memory_space<semaphore_mem>>)
    %dma_wait3A_203 = tpu.memref_slice %arg3[%add3A_189] : memref<6488064xf32, #tpu.memory_space<hbm>> -> memref<16896xf32, #tpu.memory_space<hbm>>
    %dma_wait3A_204 = tpu.memref_slice %arg3[%add3A_189] : memref<6488064xf32, #tpu.memory_space<hbm>> -> memref<16896xf32, #tpu.memory_space<hbm>>
    tpu.wait_dma2 semaphore(%arg10 : memref<!tpu.dma_semaphore, #tpu.memory_space<semaphore_mem>>) src(%arg6 : memref<16896xf32, #tpu.memory_space<vmem>>) dst(%dma_wait3A_204 : memref<16896xf32, #tpu.memory_space<hbm>>)
    %dma_wait3A_205 = tpu.memref_slice %arg3[%add3A_200] : memref<6488064xf32, #tpu.memory_space<hbm>> -> memref<16896xf32, #tpu.memory_space<hbm>>
    %dma_wait3A_206 = tpu.memref_slice %arg3[%add3A_200] : memref<6488064xf32, #tpu.memory_space<hbm>> -> memref<16896xf32, #tpu.memory_space<hbm>>
    tpu.wait_dma2 semaphore(%arg11 : memref<!tpu.dma_semaphore, #tpu.memory_space<semaphore_mem>>) src(%arg7 : memref<16896xf32, #tpu.memory_space<vmem>>) dst(%dma_wait3A_206 : memref<16896xf32, #tpu.memory_space<hbm>>)
    return
  }
}

</mosaic_0001>

<sc_bundles>
// kernel: kernel.3.cloned.1.call-start
scs
__scs_entry_jumppad:
0x0: {  	(pc) =	sbr.rel $0x88, $3  }
0x1: {  	(tag) =	ssettag $0x0;
	lr =	simm.s32 $0x1  }
0x2: {  	[smem:$0x3FA0] =	sst lr;
	_ =	strace $0xD0000000  }
0x3: {  	_ = 	snop  }
0x4: {  	_ = 	snop  }
0x5: {  	_ = 	snop  }
0x6: {  	_ = 	snop  }
0x7: {  	_ = 	snop  }
__scs_overlays_trampoline_lowered:
0x8: {  	[smem:$0x3FAF] =	sst s0  }
0x9: {  	[smem:$0x3FB0] =	sst s1  }
0xa: {  	[smem:$0x3FB1] =	sst s2  }
0xb: {  	[smem:$0x3FB2] =	sst s3  }
0xc: {  	[smem:$0x3FB3] =	sst s4  }
0xd: {  	[smem:$0x3FB4] =	sst s5  }
0xe: {  	[smem:$0x3FB5] =	sst s6  }
0xf: {  	[smem:$0x3FB6] =	sst s7  }
0x10: {  	[smem:$0x3FB7] =	sst s8  }
0x11: {  	[smem:$0x3FB8] =	sst s9;
	s0 =	simm.s32 @!p0 $0x0  }
0x12: {  	s1 =	sld [smem:$0x3F9E];
	s0 =	simm.s32 @p0 $0x1  }
0x13: {  	[smem:$0x3FB9] =	sst s0;
	s0 =	simm.s32 @!p1 $0x0  }
0x14: {  	s2 =	sld [smem:$0x3F9D];
	s0 =	simm.s32 @p1 $0x1  }
0x15: {  	[smem:$0x3FBA] =	sst s0;
	s0 =	simm.s32 @!p2 $0x0  }
0x16: {  	s3 =	sld [smem:$0x3FDB];
	s0 =	simm.s32 @p2 $0x1  }
0x17: {  	s4 =	simm.s32 $0x1BF5;
	[smem:$0x3FBC] =	sst s0  }
0x18: {  	s0 =	sld [smem:$0x3F9F];
	_ =	swait.ge [sflag:s4], $0x0  }
0x19: {  	s7 =	sld [smem:$0x3FA0]  }
0x1a: {  	s8 =	sadd.s32 $0xFFFFE003, lr  }
0x1b: {  	s9 =	sadd.s32 $0xFFFFFEF7, lr;
	s5 =	simm.s32 $0xFFFFFFFF;
	p2 =	slt.u32 s8, $0xFFFFF086  }
0x1c: {  	p1 =	slt.u32 s9, $0xF7A;
	s5 =	simm.s32 @!p2 $0x0  }
0x1d: {  	s5 =	simm.s32 @p1 $0x1;
	p0 =	seq.s32 s7, s2  }
0x1e: {  	s7 =	smul.u32 @!p0 $0xF7A, s2;
	p2 =	seq.s32 @!p0 s5, $0x0  }
0x1f: {  	s9 =	smul.u32 $0xF7A, s1;
	s8 =	simm.s32 @!p0 $0x1BF5;
	p2 =	por !p2, p0  }
0x20: {  	[sflag:s8] =	ssyncset.s32 @!p0 $0xFFFFF086;
	s6 =	sadd.s32 @!p0 s3, s7;
	s7 =	simm.s32 @!p0 $0x108  }
0x21: {  	s3 =	sadd.s32 s3, s9;
	s6 =	sadd.s32 @!p0 $0x88, s6;
	s7 =	simm.s32 @p2 $0x1082  }
0x22: {  	[simem:s7], [sflag:s8] =	dma.local @!p0 [hbm:s6], $0xF7A  }
0x23: {  	s9 =	sor.u32 $0xD0000000, s2;
	s6 =	simm.s32 $0x108;
	_ =	swait.ge @!p0 [sflag:s8], $0x0  }
0x24: {  	s3 =	sadd.s32 $0x88, s3;
	s6 =	simm.s32 @!p1 $0x1082;
	[sflag:s4] =	ssyncset.s32 $0xFFFFF086  }
0x25: {  	[simem:s6], [sflag:s4] =	dma.local [hbm:s3], $0xF7A  }
0x26: {  	[smem:$0x3FA0] =	sst s1;
	(tag) =	ssettag s2;
	_ =	strace s9  }
0x27: {  	s1 =	sld [smem:$0x3FB0]  }
0x28: {  	s2 =	sld [smem:$0x3FB1]  }
0x29: {  	s4 =	sld [smem:$0x3FB3]  }
0x2a: {  	p0 =	seq.s32 s5, $0x0;
	s5 =	sld [smem:$0x3FB4]  }
0x2b: {  	s6 =	sld [smem:$0x3FB5]  }
0x2c: {  	s7 =	sld [smem:$0x3FB6]  }
0x2d: {  	s3 =	simm.s32 $0x108;
	s8 =	sld [smem:$0x3FB7]  }
0x2e: {  	s3 =	simm.s32 @!p0 $0x1082;
	s9 =	sld [smem:$0x3FB8]  }
0x2f: {  	lr =	sadd.s32 s0, s3;
	s0 =	sld [smem:$0x3FAF]  }
0x30: {  	s3 =	sld [smem:$0x3FB2]  }
0x31: {  	[smem:$0x3FBB] =	sst s10  }
0x32: {  	s10 =	sld [smem:$0x3FB9];
	_ =	sdelay $0x3  }
0x33: {  	p0 =	seq.s32 s10, $0x1;
	s10 =	sld [smem:$0x3FBB];
	_ =	sdelay $0x3  }
0x34: {  	[smem:$0x3FBB] =	sst s10  }
0x35: {  	s10 =	sld [smem:$0x3FBA];
	_ =	sdelay $0x3  }
0x36: {  	p1 =	seq.s32 s10, $0x1;
	s10 =	sld [smem:$0x3FBB];
	_ =	sdelay $0x3  }
0x37: {  	[smem:$0x3FBB] =	sst s10  }
0x38: {  	s10 =	sld [smem:$0x3FBC]  }
0x39: {  	_ = 	snop;
	(pc) =	sbr.ind lr, $3  }
0x3a: {  	_ = 	snop  }
0x3b: {  	_ = 	snop  }
0x3c: {  	p2 =	seq.s32 s10, $0x1;
	s10 =	sld [smem:$0x3FBB]  }
0x3d: {  	_ =	shalt  }
0x3e: {  	_ =	shalt  }
0x3f: {  	_ =	shalt  }
0x40: {  	_ =	shalt  }
0x41: {  	_ =	shalt  }
0x42: {  	_ =	shalt  }
0x43: {  	_ =	shalt  }
0x44: {  	_ =	shalt  }
0x45: {  	_ =	shalt  }
0x46: {  	_ =	shalt  }
0x47: {  	_ =	shalt  }
0x48: {  	_ =	shalt  }
0x49: {  	_ =	shalt  }
0x4a: {  	_ =	shalt  }
0x4b: {  	_ =	shalt  }
0x4c: {  	_ =	shalt  }
0x4d: {  	_ =	shalt  }
0x4e: {  	_ =	shalt  }
0x4f: {  	_ =	shalt  }
0x50: {  	_ =	shalt  }
0x51: {  	_ =	shalt  }
0x52: {  	_ =	shalt  }
0x53: {  	_ =	shalt  }
0x54: {  	_ =	shalt  }
0x55: {  	_ =	shalt  }
0x56: {  	_ =	shalt  }
0x57: {  	_ =	shalt  }
0x58: {  	_ =	shalt  }
0x59: {  	_ =	shalt  }
0x5a: {  	_ =	shalt  }
0x5b: {  	_ =	shalt  }
0x5c: {  	_ =	shalt  }
0x5d: {  	_ =	shalt  }
0x5e: {  	_ =	shalt  }
0x5f: {  	_ =	shalt  }
0x60: {  	_ =	shalt  }
0x61: {  	_ =	shalt  }
0x62: {  	_ =	shalt  }
0x63: {  	_ =	shalt  }
0x64: {  	_ =	shalt  }
0x65: {  	_ =	shalt  }
0x66: {  	_ =	shalt  }
0x67: {  	_ =	shalt  }
0x68: {  	_ =	shalt  }
0x69: {  	_ =	shalt  }
0x6a: {  	_ =	shalt  }
0x6b: {  	_ =	shalt  }
0x6c: {  	_ =	shalt  }
0x6d: {  	_ =	shalt  }
0x6e: {  	_ =	shalt  }
0x6f: {  	_ =	shalt  }
0x70: {  	_ =	shalt  }
0x71: {  	_ =	shalt  }
0x72: {  	_ =	shalt  }
0x73: {  	_ =	shalt  }
0x74: {  	_ =	shalt  }
0x75: {  	_ =	shalt  }
0x76: {  	_ =	shalt  }
0x77: {  	_ =	shalt  }
0x78: {  	_ =	shalt  }
0x79: {  	_ =	shalt  }
0x7a: {  	_ =	shalt  }
0x7b: {  	_ =	shalt  }
0x7c: {  	_ =	shalt  }
0x7d: {  	_ =	shalt  }
0x7e: {  	_ =	shalt  }
0x7f: {  	_ =	shalt  }
0x80: {  	_ =	shalt  }
0x81: {  	_ =	shalt  }
0x82: {  	_ =	shalt  }
0x83: {  	_ =	shalt  }
0x84: {  	_ =	shalt  }
0x85: {  	_ =	shalt  }
0x86: {  	_ =	shalt  }
0x87: {  	_ =	shalt  }
.Lfunc_end0:
.L_simem_size_0:
called_computation_lowered:
.L_overlay_start_0:
0x88: {  	s2 =	sld [smem:$0x3FD9]  }
0x89: {  	s3 =	sld [smem:$0x3FFE];
	_ =	sdelay $0x1  }
0x8a: {  	s1 =	srdreg.scid  }
0x8b: {  	s0 =	sand.u32 $0x1, s1  }
0x8c: {  	s17 =	sshll.u32 s0, $0xA;
	s2 =	sadd.s32 s3, s2  }
0x8d: {  	s2 =	sadd.s32 s2, s17  }
0x8e: {  	[smem:$0x3FC7] =	sst s2  }
0x8f: {  	_ = 	snop  }
0x90: {  	s2 =	sld [smem:$0x3FD0];
	(tm) =	ssettm $0x1  }
0x91: {  	s18 =	sld [smem:$0x3FFB];
	_ =	sdelay $0x3  }
0x92: {  	_ =	strace s18  }
0x93: {  	s3 =	sld [smem:$0x3FFC];
	_ =	sdelay $0x3  }
0x94: {  	_ =	strace s3  }
0x95: {  	s3 =	sld [smem:$0x3FFD];
	_ =	sdelay $0x3  }
0x96: {  	_ =	strace s3  }
0x97: {  	_ =	strace $0x8FFFFFFF  }
0x98: {  	s19 =	sld [smem:$0x3FDB];
	_ =	sdelay $0x1  }
0x99: {  	s4 =	simm.s32 $_scs_section_size  }
0x9a: {  	s5 =	simm.s32 $_size__tile_overlayer_lowered;
	s6 =	simm.s32 $_tile_overlayer_lowered  }
0x9b: {  	s22 =	simm.s32 $0x1BFF;
	s21 =	sshll.u32 s6, $0x1;
	s3 =	sadd.s32 s4, s19  }
0x9c: {  	s7 =	simm.s32 $0x0;
	s20 =	sshll.u32 s5, $0x1;
	s5 =	sadd.s32 s21, s3  }
0x9d: {  	[timem:s7], [sflag:s22] =	dma.local [hbm:s5], s20  }
0x9e: {  	_ =	swait.ge [sflag:s22], s20  }
0x9f: {  	s4 =	ssub.s32 $0x0, s20;
	[sflag:s22] =	ssyncset.done $0x0  }
0xa0: {  	[sflag:s22] =	ssyncadd.s32 s4;
	_ =	sdelay $0x1  }
0xa1: {  	s23 =	simm.s32 $0x1B8B  }
0xa2: {  	_ =	swait.ge [sflag:s23], $0x1  }
0xa3: {  	[sflag:s23] =	ssyncset.done $0x0  }
0xa4: {  	s25 =	simm.s32 $0x1B8E;
	s24 =	sld [smem:$0x3FFE];
	[sflag:s23] =	ssyncadd.s32 $0xFFFFFFFF  }
0xa5: {  	s26 =	simm.s32 $execute0_lowered;
	[smem:$0x3FD2] =	sst s25  }
0xa6: {  	s5 =	sshll.u32 s26, $0x1;
	_ =	strace $0x80000046;
	[dreg:$0x1] =	wrdreg $0xFFFFFFFF  }
0xa7: {  	s28 =	simm.s32 $_size_execute0_lowered;
	s3 =	sadd.s32 s3, s5;
	[dreg:$0x0] =	wrdreg $0x0  }
0xa8: {  	s5 =	sshll.u32 s28, $0x1;
	[dreg:$0x2] =	wrdreg s3  }
0xa9: {  	[dreg:$0x3] =	wrdreg s5  }
0xaa: {  	[dreg:$0x4] =	wrdreg $0xC0  }
0xab: {  	_ =	task [dreg:s7], $0x5FFFF  }
0xac: {  	[dreg:$0x1] =	wrdreg $0xFFFFFFFF  }
0xad: {  	[dreg:$0x0] =	wrdreg $0x60  }
0xae: {  	[dreg:$0x2] =	wrdreg s24  }
0xaf: {  	[dreg:$0x3] =	wrdreg s2  }
0xb0: {  	[dreg:$0x4] =	wrdreg $0x9  }
0xb1: {  	_ =	task.clear_ibuf [dreg:s7], $0x5FFFF;
	_ =	strace $0x90000046  }
0xb2: {  	s29 =	simm.s32 $0x9;
	_ =	strace $0x80000048  }
0xb3: {  	_ =	swait.ge [sflag:s29], $0x1  }
0xb4: {  	[sflag:s29] =	ssyncadd.s32 $0xFFFFFFFF  }
0xb5: {  	_ =	strace $0x90000048  }
0xb6: {  	_ =	sfence  }
0xb7: {  	s30 =	sld [smem:$0x0];
	_ =	sdelay $0x2  }
0xb8: {  	s31 =	sshll.u32 s1, $0xD;
	s1 =	sshrl.u32 s1, $0x2  }
0xb9: {  	s3 =	sand.u32 $0x4000, s31;
	s1 =	sadd.s32 s1, s30  }
0xba: {  	s0 =	sor.u32 s3, s0;
	s1 =	sshll.u32 s1, $0x11  }
0xbb: {  	s0 =	sor.u32 s1, s0  }
0xbc: {  	s0 =	sadd.s32 $0x8F2B, s0  }
0xbd: {  	[sflag:s0] =	ssyncadd.remote.s32 $0x1  }
0xbe: {  	_ =	sfence.sel $0xFFFF  }
0xbf: {  	[dreg:$0x0] =	wrdreg $0xFFFFFFFF;
	(pc) =	sbr.abs _section_cstart, $3  }
0xc0: {  	[dreg:$0x1] =	wrdreg $0xFFFFFFFF  }
0xc1: {  	_ =	task.clear_ibuf [dreg:s7], $0x2FFFF;
	_ =	strace $0x9FFFFFFF  }
0xc2: {  	(tm) =	ssettm $0x7FFFFFFF  }
0xc3: {  	_ =	shalt  }
tec
execute0_lowered:
.L_overlay_start_1:
0x0: {  	(tag) =	ssettag $0x1  }
0x1: {  	s0 =	srdreg.scid;
	s1 =	stileid.u32  }
0x2: {  	s3 =	rddreg [dreg:$0x0];
	s0 =	sand.u32 $0x1, s0;
	s1 =	sshll.u32 s1, $0x1  }
0x3: {  	s26 =	rddreg [dreg:$0x1];
	s29 =	simm.s32 $0x8400;
	s1 =	sor.u32 s0, s1  }
0x4: {  	s30 =	simm.s32 $0x1;
	s0 =	ssub.s32 $0x2, s0;
	s2 =	smul.u32 $0x31800, s1  }
0x5: {  	s31 =	simm.s32 $0x10800;
	s1 =	smul.u32 $0xC600, s1;
	s4 =	sshrl.u32 s0, $0x1  }
0x6: {  	s3 =	sadd.s32 $0x400400, s3;
	s0 =	ssub.s32 s0, s4;
	s5 =	sadd.s32 $0x4200, s2  }
0x7: {  	s1 =	sadd.s32 s3, s1;
	s20 =	sshrl.u32 s2, $0x3;
	s24 =	sadd.s32 $0x8400, s2  }
0x8: {  	s15 =	sadd.s32 $0xC600, s2;
	s18 =	sadd.s32 $0x10800, s2;
	s21 =	sadd.s32 $0x1CE00, s2  }
0x9: {  	s22 =	sadd.s32 $0x21000, s2;
	s23 =	sadd.s32 $0x25200, s2;
	s25 =	sadd.s32 $0x29400, s2  }
0xa: {  	s28 =	smax.u32 s0, $0x1;
	s0 =	simm.s32 $0x14A00;
	[dreg:$0x3] =	wrdreg s1  }
0xb: {  	s19 =	sshrl.u32 s5, $0x2;
	s6 =	sshrl.u32 s24, $0x2;
	s12 =	sshrl.u32 s15, $0x2  }
0xc: {  	s7 =	sshrl.u32 s18, $0x2;
	s8 =	sshrl.u32 s21, $0x2;
	s9 =	sshrl.u32 s22, $0x2  }
0xd: {  	s10 =	sshrl.u32 s23, $0x2;
	s11 =	sshrl.u32 s25, $0x2;
	s17 =	sshrl.u32 s5, $0x3  }
0xe: {  	s25 =	sshrl.u32 s25, $0x3;
	s1 =	sadd.s32 s3, s19;
	s6 =	sadd.s32 s3, s6  }
0xf: {  	s13 =	sadd.s32 s3, s7;
	s19 =	sadd.s32 $0x18C00, s2;
	s8 =	sadd.s32 s3, s8  }
0x10: {  	s9 =	sadd.s32 s3, s9;
	s10 =	sadd.s32 s3, s10;
	[dreg:$0x4] =	wrdreg s1  }
0x11: {  	s11 =	sadd.s32 s3, s11;
	s25 =	sadd.s32 s26, s25;
	[dreg:$0x5] =	wrdreg s6  }
0x12: {  	s6 =	sadd.s32 s3, s12;
	[dreg:$0x7] =	wrdreg s13;
	s16 =	sshrl.u32 s19, $0x2  }
0x13: {  	s12 =	simm.s32 $0x0;
	s5 =	sshrl.u32 s19, $0x3;
	s1 =	simm.s32 $0x3  }
0x14: {  	[dreg:$0x6] =	wrdreg s6;
	s6 =	sadd.s32 $0x14A00, s2;
	s2 =	sadd.s32 $0x2D600, s2  }
0x15: {  	[smem:$0x7FF] =	sst s12;
	s14 =	sshrl.u32 s6, $0x2;
	s13 =	sshrl.u32 s2, $0x2  }
0x16: {  	s4 =	sshrl.u32 s6, $0x3;
	s6 =	sshrl.u32 s21, $0x3;
	s21 =	sshrl.u32 s22, $0x3  }
0x17: {  	s2 =	sshrl.u32 s2, $0x3;
	s7 =	sadd.s32 s3, s14;
	s13 =	sadd.s32 s3, s13  }
0x18: {  	s14 =	sadd.s32 s26, s20;
	s20 =	sshrl.u32 s24, $0x3;
	s24 =	sshrl.u32 s15, $0x3  }
0x19: {  	s15 =	sadd.s32 s26, s17;
	s19 =	sadd.s32 s26, s4;
	s22 =	sadd.s32 s26, s6  }
0x1a: {  	[dreg:$0x8] =	wrdreg s7;
	s7 =	sadd.s32 s3, s16;
	s16 =	sadd.s32 s26, s20  }
0x1b: {  	s17 =	sadd.s32 s26, s24;
	s3 =	sshrl.u32 s18, $0x3;
	s20 =	sadd.s32 s26, s5  }
0x1c: {  	s24 =	sshrl.u32 s23, $0x3;
	s23 =	sadd.s32 s26, s21;
	s21 =	simm.s32 $0x2  }
0x1d: {  	s18 =	sadd.s32 s26, s3;
	s24 =	sadd.s32 s26, s24;
	s26 =	sadd.s32 s26, s2  }
0x1e: {  	_ =	strace $0x80000047;
	s2 =	simm.s32 $0x4;
	s3 =	simm.s32 $0x0  }
.LBB2_1:
0x1f: {  	s4 =	rddreg [dreg:$0x3]  }
0x20: {  	[tilespmem:s12], [sflag:$0x1] =	stream.linear.gather [hbm4b:s4+s12], $0x8400, $0x38;
	[tilespmem:$0x18C00] =	vst v63  }
0x21: {  	s6 =	rddreg [dreg:$0x4]  }
0x22: {  	[tilespmem:s29], [sflag:$0x2] =	stream.linear.gather [hbm4b:s6+s12], $0x8400, $0x38;
	[tilespmem:$0x18C00] =	vst v63  }
0x23: {  	_ =	swait.ge [sflag:s30], $0x8400  }
0x24: {  	[sflag:s30] =	ssyncset.done $0x0  }
0x25: {  	s6 =	simm.s32 $0x80;
	[sflag:s30] =	ssyncadd.s32 $0xFFFF7C00  }
0x26: {  	v1 =	vld [tilespmem:s6+$0x60]  }
0x27: {  	v2 =	vld [tilespmem:s6+$0x70]  }
0x28: {  	v0 =	vld [tilespmem:s6+$0xFFFFFF90]  }
0x29: {  	v3 =	vld [tilespmem:s6+$0xFFFFFFA0]  }
0x2a: {  	v4 =	vld [tilespmem:s6+$0xFFFFFFB0]  }
0x2b: {  	v5 =	vld [tilespmem:s6+$0xFFFFFFC0]  }
0x2c: {  	v6 =	vld [tilespmem:s6+$0xFFFFFFD0]  }
0x2d: {  	v7 =	vld [tilespmem:s6+$0xFFFFFFE0]  }
0x2e: {  	v8 =	vld [tilespmem:s6+$0xFFFFFFF0]  }
0x2f: {  	v9 =	vld [tilespmem:s6+$0x0]  }
0x30: {  	v10 =	vld [tilespmem:s6+$0x10];
	v2 =	vadd.f32 v2, v1  }
0x31: {  	s4 =	simm.s32 $0x10840;
	v4 =	vadd.f32 v4, v3;
	v1 =	vld [tilespmem:s6+$0x20]  }
0x32: {  	v5 =	vadd.f32 v6, v5;
	v3 =	vld [tilespmem:s6+$0x30];
	[tilespmem:s4+$0x30] =	vst v2  }
0x33: {  	v6 =	vadd.f32 v8, v7;
	[tilespmem:s4+$0xFFFFFFD0] =	vst v4;
	v2 =	vld [tilespmem:s6+$0x40]  }
0x34: {  	[tilespmem:s4+$0xFFFFFFE0] =	vst v5;
	v5 =	vld [tilespmem:s6+$0x50]  }
0x35: {  	s5 =	simm.s32 $0x0;
	v4 =	vld [tilespmem:s6+$0xFFFFFF80];
	[tilespmem:s4+$0xFFFFFFF0] =	vst v6;
	v6 =	vadd.f32 v10, v9;
	s6 =	simm.s32 $0x180  }
.LBB2_2:
0x36: {  	v7 =	vld [tilespmem:s6+$0x60]  }
0x37: {  	s5 =	sadd.s32 $0x80, s5;
	v8 =	vld [tilespmem:s6+$0x70];
	[tilespmem:s4+$0x0] =	vst v6;
	v1 =	vadd.f32 v3, v1  }
0x38: {  	p0 =	slt.u32 s5, $0x4180;
	v3 =	vld [tilespmem:s6+$0xFFFFFF90]  }
0x39: {  	v6 =	vld [tilespmem:s6+$0xFFFFFFA0];
	[tilespmem:s4+$0x10] =	vst v1;
	v1 =	vadd.f32 v5, v2  }
0x3a: {  	v2 =	vld [tilespmem:s6+$0xFFFFFFB0];
	v9 =	vadd.f32 v0, v4  }
0x3b: {  	v4 =	vld [tilespmem:s6+$0xFFFFFFC0];
	[tilespmem:s4+$0x20] =	vst v1  }
0x3c: {  	v1 =	vld [tilespmem:s6+$0xFFFFFFD0];
	v5 =	vadd.f32 v8, v7;
	[tilespmem:s4+$0xFFFFFFC0] =	vst v9  }
0x3d: {  	s4 =	sadd.s32 $0x80, s4;
	v7 =	vld [tilespmem:s6+$0xFFFFFFE0];
	v0 =	vmov v3  }
0x3e: {  	v8 =	vld [tilespmem:s6+$0xFFFFFFF0];
	[tilespmem:s4+$0x30] =	vst v5  }
0x3f: {  	v2 =	vadd.f32 v2, v6;
	v6 =	vld [tilespmem:s6+$0x0]  }
0x40: {  	v9 =	vld [tilespmem:s6+$0x10]  }
.Ltmp0:
0x41: {  	[tilespmem:s4+$0xFFFFFFD0] =	vst v2;
	v2 =	vadd.f32 v1, v4;
	v1 =	vld [tilespmem:s6+$0x20];
	(pc) =	sbr.rel @p0 .LBB2_2-.Ltmp0, $4  }
0x42: {  	v3 =	vld [tilespmem:s6+$0x30]  }
0x43: {  	[tilespmem:s4+$0xFFFFFFE0] =	vst v2;
	v7 =	vadd.f32 v8, v7;
	v2 =	vld [tilespmem:s6+$0x40]  }
0x44: {  	v5 =	vld [tilespmem:s6+$0x50]  }
0x45: {  	v4 =	vld [tilespmem:s6+$0xFFFFFF80];
	[tilespmem:s4+$0xFFFFFFF0] =	vst v7;
	v6 =	vadd.f32 v9, v6;
	s6 =	sadd.s32 $0x100, s6  }
0x46: {  	_ =	sdelay $0x1  }
0x47: {  	v1 =	vadd.f32 v3, v1  }
0x48: {  	[tilespmem:s4+$0x0] =	vst v6;
	v2 =	vadd.f32 v5, v2  }
0x49: {  	[tilespmem:s4+$0x10] =	vst v1;
	v0 =	vadd.f32 v0, v4  }
0x4a: {  	[tilespmem:s4+$0x20] =	vst v2  }
0x4b: {  	[tilespmem:s4+$0xFFFFFFC0] =	vst v0  }
0x4c: {  	[hbm4b:s14+s12] =	stream.linear.scatter [tilespmem:s31], [sflag:$0x3], $0x4200, $0x38;
	[tilespmem:$0x18C00] =	vst v63  }
0x4d: {  	s4 =	rddreg [dreg:$0x5]  }
0x4e: {  	[tilespmem:s12], [sflag:$0x1] =	stream.linear.gather [hbm4b:s4+s12], $0x8400, $0x38;
	[tilespmem:$0x18C00] =	vst v63  }
0x4f: {  	_ =	swait.ge [sflag:s21], $0x8400  }
0x50: {  	[sflag:s21] =	ssyncset.done $0x0  }
0x51: {  	s6 =	simm.s32 $0x8480;
	[sflag:s21] =	ssyncadd.s32 $0xFFFF7C00  }
0x52: {  	v1 =	vld [tilespmem:s6+$0x60]  }
0x53: {  	v2 =	vld [tilespmem:s6+$0x70]  }
0x54: {  	v0 =	vld [tilespmem:s6+$0xFFFFFF90]  }
0x55: {  	v3 =	vld [tilespmem:s6+$0xFFFFFFA0]  }
0x56: {  	v4 =	vld [tilespmem:s6+$0xFFFFFFB0]  }
0x57: {  	v5 =	vld [tilespmem:s6+$0xFFFFFFC0]  }
0x58: {  	v6 =	vld [tilespmem:s6+$0xFFFFFFD0]  }
0x59: {  	v7 =	vld [tilespmem:s6+$0xFFFFFFE0]  }
0x5a: {  	v8 =	vld [tilespmem:s6+$0xFFFFFFF0]  }
0x5b: {  	v9 =	vld [tilespmem:s6+$0x0]  }
0x5c: {  	v10 =	vld [tilespmem:s6+$0x10];
	v2 =	vadd.f32 v2, v1  }
0x5d: {  	s4 =	simm.s32 $0x14A40;
	v4 =	vadd.f32 v4, v3;
	v1 =	vld [tilespmem:s6+$0x20]  }
0x5e: {  	v5 =	vadd.f32 v6, v5;
	v3 =	vld [tilespmem:s6+$0x30];
	[tilespmem:s4+$0x30] =	vst v2  }
0x5f: {  	v6 =	vadd.f32 v8, v7;
	[tilespmem:s4+$0xFFFFFFD0] =	vst v4;
	v2 =	vld [tilespmem:s6+$0x40]  }
0x60: {  	[tilespmem:s4+$0xFFFFFFE0] =	vst v5;
	v5 =	vld [tilespmem:s6+$0x50]  }
0x61: {  	s5 =	simm.s32 $0x0;
	v4 =	vld [tilespmem:s6+$0xFFFFFF80];
	[tilespmem:s4+$0xFFFFFFF0] =	vst v6;
	v6 =	vadd.f32 v10, v9;
	s6 =	simm.s32 $0x8580  }
.LBB2_4:
0x62: {  	v7 =	vld [tilespmem:s6+$0x60]  }
0x63: {  	s5 =	sadd.s32 $0x80, s5;
	v8 =	vld [tilespmem:s6+$0x70];
	[tilespmem:s4+$0x0] =	vst v6;
	v1 =	vadd.f32 v3, v1  }
0x64: {  	p0 =	slt.u32 s5, $0x4180;
	v3 =	vld [tilespmem:s6+$0xFFFFFF90]  }
0x65: {  	v6 =	vld [tilespmem:s6+$0xFFFFFFA0];
	[tilespmem:s4+$0x10] =	vst v1;
	v1 =	vadd.f32 v5, v2  }
0x66: {  	v2 =	vld [tilespmem:s6+$0xFFFFFFB0];
	v9 =	vadd.f32 v0, v4  }
0x67: {  	v4 =	vld [tilespmem:s6+$0xFFFFFFC0];
	[tilespmem:s4+$0x20] =	vst v1  }
0x68: {  	v1 =	vld [tilespmem:s6+$0xFFFFFFD0];
	v5 =	vadd.f32 v8, v7;
	[tilespmem:s4+$0xFFFFFFC0] =	vst v9  }
0x69: {  	s4 =	sadd.s32 $0x80, s4;
	v7 =	vld [tilespmem:s6+$0xFFFFFFE0];
	v0 =	vmov v3  }
0x6a: {  	v8 =	vld [tilespmem:s6+$0xFFFFFFF0];
	[tilespmem:s4+$0x30] =	vst v5  }
0x6b: {  	v2 =	vadd.f32 v2, v6;
	v6 =	vld [tilespmem:s6+$0x0]  }
0x6c: {  	v9 =	vld [tilespmem:s6+$0x10]  }
.Ltmp1:
0x6d: {  	[tilespmem:s4+$0xFFFFFFD0] =	vst v2;
	v2 =	vadd.f32 v1, v4;
	v1 =	vld [tilespmem:s6+$0x20];
	(pc) =	sbr.rel @p0 .LBB2_4-.Ltmp1, $4  }
0x6e: {  	v3 =	vld [tilespmem:s6+$0x30]  }
0x6f: {  	[tilespmem:s4+$0xFFFFFFE0] =	vst v2;
	v7 =	vadd.f32 v8, v7;
	v2 =	vld [tilespmem:s6+$0x40]  }
0x70: {  	v5 =	vld [tilespmem:s6+$0x50]  }
0x71: {  	v4 =	vld [tilespmem:s6+$0xFFFFFF80];
	[tilespmem:s4+$0xFFFFFFF0] =	vst v7;
	v6 =	vadd.f32 v9, v6;
	s6 =	sadd.s32 $0x100, s6  }
0x72: {  	_ =	sdelay $0x1  }
0x73: {  	v1 =	vadd.f32 v3, v1  }
0x74: {  	[tilespmem:s4+$0x0] =	vst v6;
	v2 =	vadd.f32 v5, v2  }
0x75: {  	[tilespmem:s4+$0x10] =	vst v1;
	v0 =	vadd.f32 v0, v4  }
0x76: {  	[tilespmem:s4+$0x20] =	vst v2  }
0x77: {  	[tilespmem:s4+$0xFFFFFFC0] =	vst v0  }
0x78: {  	[hbm4b:s15+s12] =	stream.linear.scatter [tilespmem:s0], [sflag:$0x4], $0x4200, $0x38;
	[tilespmem:$0x18C00] =	vst v63  }
0x79: {  	s4 =	rddreg [dreg:$0x6]  }
0x7a: {  	[tilespmem:s29], [sflag:$0x2] =	stream.linear.gather [hbm4b:s4+s12], $0x8400, $0x38;
	[tilespmem:$0x18C00] =	vst v63  }
0x7b: {  	_ =	swait.ge [sflag:s30], $0x8400  }
0x7c: {  	[sflag:s30] =	ssyncset.done $0x0  }
0x7d: {  	[sflag:s30] =	ssyncadd.s32 $0xFFFF7C00  }
0x7e: {  	_ =	swait.ge [sflag:s1], $0x4200  }
0x7f: {  	[sflag:s1] =	ssyncset.done $0x0  }
0x80: {  	s6 =	simm.s32 $0x80;
	[sflag:s1] =	ssyncadd.s32 $0xFFFFBE00  }
0x81: {  	v1 =	vld [tilespmem:s6+$0x60]  }
0x82: {  	v2 =	vld [tilespmem:s6+$0x70]  }
0x83: {  	v0 =	vld [tilespmem:s6+$0xFFFFFF90]  }
0x84: {  	v3 =	vld [tilespmem:s6+$0xFFFFFFA0]  }
0x85: {  	v4 =	vld [tilespmem:s6+$0xFFFFFFB0]  }
0x86: {  	v5 =	vld [tilespmem:s6+$0xFFFFFFC0]  }
0x87: {  	v6 =	vld [tilespmem:s6+$0xFFFFFFD0]  }
0x88: {  	v7 =	vld [tilespmem:s6+$0xFFFFFFE0]  }
0x89: {  	v8 =	vld [tilespmem:s6+$0xFFFFFFF0]  }
0x8a: {  	v9 =	vld [tilespmem:s6+$0x0]  }
0x8b: {  	v10 =	vld [tilespmem:s6+$0x10];
	v2 =	vadd.f32 v2, v1  }
0x8c: {  	s4 =	simm.s32 $0x10840;
	v4 =	vadd.f32 v4, v3;
	v1 =	vld [tilespmem:s6+$0x20]  }
0x8d: {  	v5 =	vadd.f32 v6, v5;
	v3 =	vld [tilespmem:s6+$0x30];
	[tilespmem:s4+$0x30] =	vst v2  }
0x8e: {  	v6 =	vadd.f32 v8, v7;
	[tilespmem:s4+$0xFFFFFFD0] =	vst v4;
	v2 =	vld [tilespmem:s6+$0x40]  }
0x8f: {  	[tilespmem:s4+$0xFFFFFFE0] =	vst v5;
	v5 =	vld [tilespmem:s6+$0x50]  }
0x90: {  	s5 =	simm.s32 $0x0;
	v4 =	vld [tilespmem:s6+$0xFFFFFF80];
	[tilespmem:s4+$0xFFFFFFF0] =	vst v6;
	v6 =	vadd.f32 v10, v9;
	s6 =	simm.s32 $0x180  }
.LBB2_6:
0x91: {  	v7 =	vld [tilespmem:s6+$0x60]  }
0x92: {  	s5 =	sadd.s32 $0x80, s5;
	v8 =	vld [tilespmem:s6+$0x70];
	[tilespmem:s4+$0x0] =	vst v6;
	v1 =	vadd.f32 v3, v1  }
0x93: {  	p0 =	slt.u32 s5, $0x4180;
	v3 =	vld [tilespmem:s6+$0xFFFFFF90]  }
0x94: {  	v6 =	vld [tilespmem:s6+$0xFFFFFFA0];
	[tilespmem:s4+$0x10] =	vst v1;
	v1 =	vadd.f32 v5, v2  }
0x95: {  	v2 =	vld [tilespmem:s6+$0xFFFFFFB0];
	v9 =	vadd.f32 v0, v4  }
0x96: {  	v4 =	vld [tilespmem:s6+$0xFFFFFFC0];
	[tilespmem:s4+$0x20] =	vst v1  }
0x97: {  	v1 =	vld [tilespmem:s6+$0xFFFFFFD0];
	v5 =	vadd.f32 v8, v7;
	[tilespmem:s4+$0xFFFFFFC0] =	vst v9  }
0x98: {  	s4 =	sadd.s32 $0x80, s4;
	v7 =	vld [tilespmem:s6+$0xFFFFFFE0];
	v0 =	vmov v3  }
0x99: {  	v8 =	vld [tilespmem:s6+$0xFFFFFFF0];
	[tilespmem:s4+$0x30] =	vst v5  }
0x9a: {  	v2 =	vadd.f32 v2, v6;
	v6 =	vld [tilespmem:s6+$0x0]  }
0x9b: {  	v9 =	vld [tilespmem:s6+$0x10]  }
.Ltmp2:
0x9c: {  	[tilespmem:s4+$0xFFFFFFD0] =	vst v2;
	v2 =	vadd.f32 v1, v4;
	v1 =	vld [tilespmem:s6+$0x20];
	(pc) =	sbr.rel @p0 .LBB2_6-.Ltmp2, $4  }
0x9d: {  	v3 =	vld [tilespmem:s6+$0x30]  }
0x9e: {  	[tilespmem:s4+$0xFFFFFFE0] =	vst v2;
	v7 =	vadd.f32 v8, v7;
	v2 =	vld [tilespmem:s6+$0x40]  }
0x9f: {  	v5 =	vld [tilespmem:s6+$0x50]  }
0xa0: {  	v4 =	vld [tilespmem:s6+$0xFFFFFF80];
	[tilespmem:s4+$0xFFFFFFF0] =	vst v7;
	v6 =	vadd.f32 v9, v6;
	s6 =	sadd.s32 $0x100, s6  }
0xa1: {  	_ =	sdelay $0x1  }
0xa2: {  	v1 =	vadd.f32 v3, v1  }
0xa3: {  	[tilespmem:s4+$0x0] =	vst v6;
	v2 =	vadd.f32 v5, v2  }
0xa4: {  	[tilespmem:s4+$0x10] =	vst v1;
	v0 =	vadd.f32 v0, v4  }
0xa5: {  	[tilespmem:s4+$0x20] =	vst v2  }
0xa6: {  	[tilespmem:s4+$0xFFFFFFC0] =	vst v0  }
0xa7: {  	[hbm4b:s16+s12] =	stream.linear.scatter [tilespmem:s31], [sflag:$0x3], $0x4200, $0x38;
	[tilespmem:$0x18C00] =	vst v63  }
0xa8: {  	s4 =	rddreg [dreg:$0x7]  }
0xa9: {  	[tilespmem:s12], [sflag:$0x1] =	stream.linear.gather [hbm4b:s4+s12], $0x8400, $0x38;
	[tilespmem:$0x18C00] =	vst v63  }
0xaa: {  	_ =	swait.ge [sflag:s21], $0x8400  }
0xab: {  	[sflag:s21] =	ssyncset.done $0x0  }
0xac: {  	[sflag:s21] =	ssyncadd.s32 $0xFFFF7C00  }
0xad: {  	_ =	swait.ge [sflag:s2], $0x4200  }
0xae: {  	[sflag:s2] =	ssyncset.done $0x0  }
0xaf: {  	s6 =	simm.s32 $0x8480;
	[sflag:s2] =	ssyncadd.s32 $0xFFFFBE00  }
0xb0: {  	v1 =	vld [tilespmem:s6+$0x60]  }
0xb1: {  	v2 =	vld [tilespmem:s6+$0x70]  }
0xb2: {  	v0 =	vld [tilespmem:s6+$0xFFFFFF90]  }
0xb3: {  	v3 =	vld [tilespmem:s6+$0xFFFFFFA0]  }
0xb4: {  	v4 =	vld [tilespmem:s6+$0xFFFFFFB0]  }
0xb5: {  	v5 =	vld [tilespmem:s6+$0xFFFFFFC0]  }
0xb6: {  	v6 =	vld [tilespmem:s6+$0xFFFFFFD0]  }
0xb7: {  	v7 =	vld [tilespmem:s6+$0xFFFFFFE0]  }
0xb8: {  	v8 =	vld [tilespmem:s6+$0xFFFFFFF0]  }
0xb9: {  	v9 =	vld [tilespmem:s6+$0x0]  }
0xba: {  	v10 =	vld [tilespmem:s6+$0x10];
	v2 =	vadd.f32 v2, v1  }
0xbb: {  	s4 =	simm.s32 $0x14A40;
	v4 =	vadd.f32 v4, v3;
	v1 =	vld [tilespmem:s6+$0x20]  }
0xbc: {  	v5 =	vadd.f32 v6, v5;
	v3 =	vld [tilespmem:s6+$0x30];
	[tilespmem:s4+$0x30] =	vst v2  }
0xbd: {  	v6 =	vadd.f32 v8, v7;
	[tilespmem:s4+$0xFFFFFFD0] =	vst v4;
	v2 =	vld [tilespmem:s6+$0x40]  }
0xbe: {  	[tilespmem:s4+$0xFFFFFFE0] =	vst v5;
	v5 =	vld [tilespmem:s6+$0x50]  }
0xbf: {  	s5 =	simm.s32 $0x0;
	v4 =	vld [tilespmem:s6+$0xFFFFFF80];
	[tilespmem:s4+$0xFFFFFFF0] =	vst v6;
	v6 =	vadd.f32 v10, v9;
	s6 =	simm.s32 $0x8580  }
.LBB2_8:
0xc0: {  	v7 =	vld [tilespmem:s6+$0x60]  }
0xc1: {  	s5 =	sadd.s32 $0x80, s5;
	v8 =	vld [tilespmem:s6+$0x70];
	[tilespmem:s4+$0x0] =	vst v6;
	v1 =	vadd.f32 v3, v1  }
0xc2: {  	p0 =	slt.u32 s5, $0x4180;
	v3 =	vld [tilespmem:s6+$0xFFFFFF90]  }
0xc3: {  	v6 =	vld [tilespmem:s6+$0xFFFFFFA0];
	[tilespmem:s4+$0x10] =	vst v1;
	v1 =	vadd.f32 v5, v2  }
0xc4: {  	v2 =	vld [tilespmem:s6+$0xFFFFFFB0];
	v9 =	vadd.f32 v0, v4  }
0xc5: {  	v4 =	vld [tilespmem:s6+$0xFFFFFFC0];
	[tilespmem:s4+$0x20] =	vst v1  }
0xc6: {  	v1 =	vld [tilespmem:s6+$0xFFFFFFD0];
	v5 =	vadd.f32 v8, v7;
	[tilespmem:s4+$0xFFFFFFC0] =	vst v9  }
0xc7: {  	s4 =	sadd.s32 $0x80, s4;
	v7 =	vld [tilespmem:s6+$0xFFFFFFE0];
	v0 =	vmov v3  }
0xc8: {  	v8 =	vld [tilespmem:s6+$0xFFFFFFF0];
	[tilespmem:s4+$0x30] =	vst v5  }
0xc9: {  	v2 =	vadd.f32 v2, v6;
	v6 =	vld [tilespmem:s6+$0x0]  }
0xca: {  	v9 =	vld [tilespmem:s6+$0x10]  }
.Ltmp3:
0xcb: {  	[tilespmem:s4+$0xFFFFFFD0] =	vst v2;
	v2 =	vadd.f32 v1, v4;
	v1 =	vld [tilespmem:s6+$0x20];
	(pc) =	sbr.rel @p0 .LBB2_8-.Ltmp3, $4  }
0xcc: {  	v3 =	vld [tilespmem:s6+$0x30]  }
0xcd: {  	[tilespmem:s4+$0xFFFFFFE0] =	vst v2;
	v7 =	vadd.f32 v8, v7;
	v2 =	vld [tilespmem:s6+$0x40]  }
0xce: {  	v5 =	vld [tilespmem:s6+$0x50]  }
0xcf: {  	v4 =	vld [tilespmem:s6+$0xFFFFFF80];
	[tilespmem:s4+$0xFFFFFFF0] =	vst v7;
	v6 =	vadd.f32 v9, v6;
	s6 =	sadd.s32 $0x100, s6  }
0xd0: {  	_ =	sdelay $0x1  }
0xd1: {  	v1 =	vadd.f32 v3, v1  }
0xd2: {  	[tilespmem:s4+$0x0] =	vst v6;
	v2 =	vadd.f32 v5, v2  }
0xd3: {  	[tilespmem:s4+$0x10] =	vst v1;
	v0 =	vadd.f32 v0, v4  }
0xd4: {  	[tilespmem:s4+$0x20] =	vst v2  }
0xd5: {  	[tilespmem:s4+$0xFFFFFFC0] =	vst v0  }
0xd6: {  	[hbm4b:s17+s12] =	stream.linear.scatter [tilespmem:s0], [sflag:$0x4], $0x4200, $0x38;
	[tilespmem:$0x18C00] =	vst v63  }
0xd7: {  	s4 =	rddreg [dreg:$0x8]  }
0xd8: {  	[tilespmem:s29], [sflag:$0x2] =	stream.linear.gather [hbm4b:s4+s12], $0x8400, $0x38;
	[tilespmem:$0x18C00] =	vst v63  }
0xd9: {  	_ =	swait.ge [sflag:s30], $0x8400  }
0xda: {  	[sflag:s30] =	ssyncset.done $0x0  }
0xdb: {  	[sflag:s30] =	ssyncadd.s32 $0xFFFF7C00  }
0xdc: {  	_ =	swait.ge [sflag:s1], $0x4200  }
0xdd: {  	[sflag:s1] =	ssyncset.done $0x0  }
0xde: {  	s6 =	simm.s32 $0x80;
	[sflag:s1] =	ssyncadd.s32 $0xFFFFBE00  }
0xdf: {  	v1 =	vld [tilespmem:s6+$0x60]  }
0xe0: {  	v2 =	vld [tilespmem:s6+$0x70]  }
0xe1: {  	v0 =	vld [tilespmem:s6+$0xFFFFFF90]  }
0xe2: {  	v3 =	vld [tilespmem:s6+$0xFFFFFFA0]  }
0xe3: {  	v4 =	vld [tilespmem:s6+$0xFFFFFFB0]  }
0xe4: {  	v5 =	vld [tilespmem:s6+$0xFFFFFFC0]  }
0xe5: {  	v6 =	vld [tilespmem:s6+$0xFFFFFFD0]  }
0xe6: {  	v7 =	vld [tilespmem:s6+$0xFFFFFFE0]  }
0xe7: {  	v8 =	vld [tilespmem:s6+$0xFFFFFFF0]  }
0xe8: {  	v9 =	vld [tilespmem:s6+$0x0]  }
0xe9: {  	v10 =	vld [tilespmem:s6+$0x10];
	v2 =	vadd.f32 v2, v1  }
0xea: {  	s4 =	simm.s32 $0x10840;
	v4 =	vadd.f32 v4, v3;
	v1 =	vld [tilespmem:s6+$0x20]  }
0xeb: {  	v5 =	vadd.f32 v6, v5;
	v3 =	vld [tilespmem:s6+$0x30];
	[tilespmem:s4+$0x30] =	vst v2  }
0xec: {  	v6 =	vadd.f32 v8, v7;
	[tilespmem:s4+$0xFFFFFFD0] =	vst v4;
	v2 =	vld [tilespmem:s6+$0x40]  }
0xed: {  	[tilespmem:s4+$0xFFFFFFE0] =	vst v5;
	v5 =	vld [tilespmem:s6+$0x50]  }
0xee: {  	s5 =	simm.s32 $0x0;
	v4 =	vld [tilespmem:s6+$0xFFFFFF80];
	[tilespmem:s4+$0xFFFFFFF0] =	vst v6;
	v6 =	vadd.f32 v10, v9;
	s6 =	simm.s32 $0x180  }
.LBB2_10:
0xef: {  	v7 =	vld [tilespmem:s6+$0x60]  }
0xf0: {  	s5 =	sadd.s32 $0x80, s5;
	v8 =	vld [tilespmem:s6+$0x70];
	[tilespmem:s4+$0x0] =	vst v6;
	v1 =	vadd.f32 v3, v1  }
0xf1: {  	p0 =	slt.u32 s5, $0x4180;
	v3 =	vld [tilespmem:s6+$0xFFFFFF90]  }
0xf2: {  	v6 =	vld [tilespmem:s6+$0xFFFFFFA0];
	[tilespmem:s4+$0x10] =	vst v1;
	v1 =	vadd.f32 v5, v2  }
0xf3: {  	v2 =	vld [tilespmem:s6+$0xFFFFFFB0];
	v9 =	vadd.f32 v0, v4  }
0xf4: {  	v4 =	vld [tilespmem:s6+$0xFFFFFFC0];
	[tilespmem:s4+$0x20] =	vst v1  }
0xf5: {  	v1 =	vld [tilespmem:s6+$0xFFFFFFD0];
	v5 =	vadd.f32 v8, v7;
	[tilespmem:s4+$0xFFFFFFC0] =	vst v9  }
0xf6: {  	s4 =	sadd.s32 $0x80, s4;
	v7 =	vld [tilespmem:s6+$0xFFFFFFE0];
	v0 =	vmov v3  }
0xf7: {  	v8 =	vld [tilespmem:s6+$0xFFFFFFF0];
	[tilespmem:s4+$0x30] =	vst v5  }
0xf8: {  	v2 =	vadd.f32 v2, v6;
	v6 =	vld [tilespmem:s6+$0x0]  }
0xf9: {  	v9 =	vld [tilespmem:s6+$0x10]  }
.Ltmp4:
0xfa: {  	[tilespmem:s4+$0xFFFFFFD0] =	vst v2;
	v2 =	vadd.f32 v1, v4;
	v1 =	vld [tilespmem:s6+$0x20];
	(pc) =	sbr.rel @p0 .LBB2_10-.Ltmp4, $4  }
0xfb: {  	v3 =	vld [tilespmem:s6+$0x30]  }
0xfc: {  	[tilespmem:s4+$0xFFFFFFE0] =	vst v2;
	v7 =	vadd.f32 v8, v7;
	v2 =	vld [tilespmem:s6+$0x40]  }
0xfd: {  	v5 =	vld [tilespmem:s6+$0x50]  }
0xfe: {  	v4 =	vld [tilespmem:s6+$0xFFFFFF80];
	[tilespmem:s4+$0xFFFFFFF0] =	vst v7;
	v6 =	vadd.f32 v9, v6;
	s6 =	sadd.s32 $0x100, s6  }
0xff: {  	_ =	sdelay $0x1  }
0x100: {  	v1 =	vadd.f32 v3, v1  }
0x101: {  	[tilespmem:s4+$0x0] =	vst v6;
	v2 =	vadd.f32 v5, v2  }
0x102: {  	[tilespmem:s4+$0x10] =	vst v1;
	v0 =	vadd.f32 v0, v4  }
0x103: {  	[tilespmem:s4+$0x20] =	vst v2  }
0x104: {  	[tilespmem:s4+$0xFFFFFFC0] =	vst v0  }
0x105: {  	[hbm4b:s18+s12] =	stream.linear.scatter [tilespmem:s31], [sflag:$0x3], $0x4200, $0x38;
	[tilespmem:$0x18C00] =	vst v63  }
0x106: {  	_ = 	snop  }
0x107: {  	[tilespmem:s12], [sflag:$0x1] =	stream.linear.gather [hbm4b:s7+s12], $0x8400, $0x38;
	[tilespmem:$0x18C00] =	vst v63  }
0x108: {  	_ =	swait.ge [sflag:s21], $0x8400  }
0x109: {  	[sflag:s21] =	ssyncset.done $0x0  }
0x10a: {  	[sflag:s21] =	ssyncadd.s32 $0xFFFF7C00  }
0x10b: {  	_ =	swait.ge [sflag:s2], $0x4200  }
0x10c: {  	[sflag:s2] =	ssyncset.done $0x0  }
0x10d: {  	s6 =	simm.s32 $0x8480;
	[sflag:s2] =	ssyncadd.s32 $0xFFFFBE00  }
0x10e: {  	v1 =	vld [tilespmem:s6+$0x60]  }
0x10f: {  	v2 =	vld [tilespmem:s6+$0x70]  }
0x110: {  	v0 =	vld [tilespmem:s6+$0xFFFFFF90]  }
0x111: {  	v3 =	vld [tilespmem:s6+$0xFFFFFFA0]  }
0x112: {  	v4 =	vld [tilespmem:s6+$0xFFFFFFB0]  }
0x113: {  	v5 =	vld [tilespmem:s6+$0xFFFFFFC0]  }
0x114: {  	v6 =	vld [tilespmem:s6+$0xFFFFFFD0]  }
0x115: {  	v7 =	vld [tilespmem:s6+$0xFFFFFFE0]  }
0x116: {  	v8 =	vld [tilespmem:s6+$0xFFFFFFF0]  }
0x117: {  	v9 =	vld [tilespmem:s6+$0x0]  }
0x118: {  	v10 =	vld [tilespmem:s6+$0x10];
	v2 =	vadd.f32 v2, v1  }
0x119: {  	s4 =	simm.s32 $0x14A40;
	v4 =	vadd.f32 v4, v3;
	v1 =	vld [tilespmem:s6+$0x20]  }
0x11a: {  	v5 =	vadd.f32 v6, v5;
	v3 =	vld [tilespmem:s6+$0x30];
	[tilespmem:s4+$0x30] =	vst v2  }
0x11b: {  	v6 =	vadd.f32 v8, v7;
	[tilespmem:s4+$0xFFFFFFD0] =	vst v4;
	v2 =	vld [tilespmem:s6+$0x40]  }
0x11c: {  	[tilespmem:s4+$0xFFFFFFE0] =	vst v5;
	v5 =	vld [tilespmem:s6+$0x50]  }
0x11d: {  	s5 =	simm.s32 $0x0;
	v4 =	vld [tilespmem:s6+$0xFFFFFF80];
	[tilespmem:s4+$0xFFFFFFF0] =	vst v6;
	v6 =	vadd.f32 v10, v9;
	s6 =	simm.s32 $0x8580  }
.LBB2_12:
0x11e: {  	v7 =	vld [tilespmem:s6+$0x60]  }
0x11f: {  	s5 =	sadd.s32 $0x80, s5;
	v8 =	vld [tilespmem:s6+$0x70];
	[tilespmem:s4+$0x0] =	vst v6;
	v1 =	vadd.f32 v3, v1  }
0x120: {  	p0 =	slt.u32 s5, $0x4180;
	v3 =	vld [tilespmem:s6+$0xFFFFFF90]  }
0x121: {  	v6 =	vld [tilespmem:s6+$0xFFFFFFA0];
	[tilespmem:s4+$0x10] =	vst v1;
	v1 =	vadd.f32 v5, v2  }
0x122: {  	v2 =	vld [tilespmem:s6+$0xFFFFFFB0];
	v9 =	vadd.f32 v0, v4  }
0x123: {  	v4 =	vld [tilespmem:s6+$0xFFFFFFC0];
	[tilespmem:s4+$0x20] =	vst v1  }
0x124: {  	v1 =	vld [tilespmem:s6+$0xFFFFFFD0];
	v5 =	vadd.f32 v8, v7;
	[tilespmem:s4+$0xFFFFFFC0] =	vst v9  }
0x125: {  	s4 =	sadd.s32 $0x80, s4;
	v7 =	vld [tilespmem:s6+$0xFFFFFFE0];
	v0 =	vmov v3  }
0x126: {  	v8 =	vld [tilespmem:s6+$0xFFFFFFF0];
	[tilespmem:s4+$0x30] =	vst v5  }
0x127: {  	v2 =	vadd.f32 v2, v6;
	v6 =	vld [tilespmem:s6+$0x0]  }
0x128: {  	v9 =	vld [tilespmem:s6+$0x10]  }
.Ltmp5:
0x129: {  	[tilespmem:s4+$0xFFFFFFD0] =	vst v2;
	v2 =	vadd.f32 v1, v4;
	v1 =	vld [tilespmem:s6+$0x20];
	(pc) =	sbr.rel @p0 .LBB2_12-.Ltmp5, $4  }
0x12a: {  	v3 =	vld [tilespmem:s6+$0x30]  }
0x12b: {  	[tilespmem:s4+$0xFFFFFFE0] =	vst v2;
	v7 =	vadd.f32 v8, v7;
	v2 =	vld [tilespmem:s6+$0x40]  }
0x12c: {  	v5 =	vld [tilespmem:s6+$0x50]  }
0x12d: {  	v4 =	vld [tilespmem:s6+$0xFFFFFF80];
	[tilespmem:s4+$0xFFFFFFF0] =	vst v7;
	v6 =	vadd.f32 v9, v6;
	s6 =	sadd.s32 $0x100, s6  }
0x12e: {  	_ =	sdelay $0x1  }
0x12f: {  	v1 =	vadd.f32 v3, v1  }
0x130: {  	[tilespmem:s4+$0x0] =	vst v6;
	v2 =	vadd.f32 v5, v2  }
0x131: {  	[tilespmem:s4+$0x10] =	vst v1;
	v0 =	vadd.f32 v0, v4  }
0x132: {  	[tilespmem:s4+$0x20] =	vst v2  }
0x133: {  	[tilespmem:s4+$0xFFFFFFC0] =	vst v0  }
0x134: {  	[hbm4b:s19+s12] =	stream.linear.scatter [tilespmem:s0], [sflag:$0x4], $0x4200, $0x38;
	[tilespmem:$0x18C00] =	vst v63  }
0x135: {  	_ = 	snop  }
0x136: {  	[tilespmem:s29], [sflag:$0x2] =	stream.linear.gather [hbm4b:s8+s12], $0x8400, $0x38;
	[tilespmem:$0x18C00] =	vst v63  }
0x137: {  	_ =	swait.ge [sflag:s30], $0x8400  }
0x138: {  	[sflag:s30] =	ssyncset.done $0x0  }
0x139: {  	[sflag:s30] =	ssyncadd.s32 $0xFFFF7C00  }
0x13a: {  	_ =	swait.ge [sflag:s1], $0x4200  }
0x13b: {  	[sflag:s1] =	ssyncset.done $0x0  }
0x13c: {  	s6 =	simm.s32 $0x80;
	[sflag:s1] =	ssyncadd.s32 $0xFFFFBE00  }
0x13d: {  	v1 =	vld [tilespmem:s6+$0x60]  }
0x13e: {  	v2 =	vld [tilespmem:s6+$0x70]  }
0x13f: {  	v0 =	vld [tilespmem:s6+$0xFFFFFF90]  }
0x140: {  	v3 =	vld [tilespmem:s6+$0xFFFFFFA0]  }
0x141: {  	v4 =	vld [tilespmem:s6+$0xFFFFFFB0]  }
0x142: {  	v5 =	vld [tilespmem:s6+$0xFFFFFFC0]  }
0x143: {  	v6 =	vld [tilespmem:s6+$0xFFFFFFD0]  }
0x144: {  	v7 =	vld [tilespmem:s6+$0xFFFFFFE0]  }
0x145: {  	v8 =	vld [tilespmem:s6+$0xFFFFFFF0]  }
0x146: {  	v9 =	vld [tilespmem:s6+$0x0]  }
0x147: {  	v10 =	vld [tilespmem:s6+$0x10];
	v2 =	vadd.f32 v2, v1  }
0x148: {  	s4 =	simm.s32 $0x10840;
	v4 =	vadd.f32 v4, v3;
	v1 =	vld [tilespmem:s6+$0x20]  }
0x149: {  	v5 =	vadd.f32 v6, v5;
	v3 =	vld [tilespmem:s6+$0x30];
	[tilespmem:s4+$0x30] =	vst v2  }
0x14a: {  	v6 =	vadd.f32 v8, v7;
	[tilespmem:s4+$0xFFFFFFD0] =	vst v4;
	v2 =	vld [tilespmem:s6+$0x40]  }
0x14b: {  	[tilespmem:s4+$0xFFFFFFE0] =	vst v5;
	v5 =	vld [tilespmem:s6+$0x50]  }
0x14c: {  	s5 =	simm.s32 $0x0;
	v4 =	vld [tilespmem:s6+$0xFFFFFF80];
	[tilespmem:s4+$0xFFFFFFF0] =	vst v6;
	v6 =	vadd.f32 v10, v9;
	s6 =	simm.s32 $0x180  }
.LBB2_14:
0x14d: {  	v7 =	vld [tilespmem:s6+$0x60]  }
0x14e: {  	s5 =	sadd.s32 $0x80, s5;
	v8 =	vld [tilespmem:s6+$0x70];
	[tilespmem:s4+$0x0] =	vst v6;
	v1 =	vadd.f32 v3, v1  }
0x14f: {  	p0 =	slt.u32 s5, $0x4180;
	v3 =	vld [tilespmem:s6+$0xFFFFFF90]  }
0x150: {  	v6 =	vld [tilespmem:s6+$0xFFFFFFA0];
	[tilespmem:s4+$0x10] =	vst v1;
	v1 =	vadd.f32 v5, v2  }
0x151: {  	v2 =	vld [tilespmem:s6+$0xFFFFFFB0];
	v9 =	vadd.f32 v0, v4  }
0x152: {  	v4 =	vld [tilespmem:s6+$0xFFFFFFC0];
	[tilespmem:s4+$0x20] =	vst v1  }
0x153: {  	v1 =	vld [tilespmem:s6+$0xFFFFFFD0];
	v5 =	vadd.f32 v8, v7;
	[tilespmem:s4+$0xFFFFFFC0] =	vst v9  }
0x154: {  	s4 =	sadd.s32 $0x80, s4;
	v7 =	vld [tilespmem:s6+$0xFFFFFFE0];
	v0 =	vmov v3  }
0x155: {  	v8 =	vld [tilespmem:s6+$0xFFFFFFF0];
	[tilespmem:s4+$0x30] =	vst v5  }
0x156: {  	v2 =	vadd.f32 v2, v6;
	v6 =	vld [tilespmem:s6+$0x0]  }
0x157: {  	v9 =	vld [tilespmem:s6+$0x10]  }
.Ltmp6:
0x158: {  	[tilespmem:s4+$0xFFFFFFD0] =	vst v2;
	v2 =	vadd.f32 v1, v4;
	v1 =	vld [tilespmem:s6+$0x20];
	(pc) =	sbr.rel @p0 .LBB2_14-.Ltmp6, $4  }
0x159: {  	v3 =	vld [tilespmem:s6+$0x30]  }
0x15a: {  	[tilespmem:s4+$0xFFFFFFE0] =	vst v2;
	v7 =	vadd.f32 v8, v7;
	v2 =	vld [tilespmem:s6+$0x40]  }
0x15b: {  	v5 =	vld [tilespmem:s6+$0x50]  }
0x15c: {  	v4 =	vld [tilespmem:s6+$0xFFFFFF80];
	[tilespmem:s4+$0xFFFFFFF0] =	vst v7;
	v6 =	vadd.f32 v9, v6;
	s6 =	sadd.s32 $0x100, s6  }
0x15d: {  	_ =	sdelay $0x1  }
0x15e: {  	v1 =	vadd.f32 v3, v1  }
0x15f: {  	[tilespmem:s4+$0x0] =	vst v6;
	v2 =	vadd.f32 v5, v2  }
0x160: {  	[tilespmem:s4+$0x10] =	vst v1;
	v0 =	vadd.f32 v0, v4  }
0x161: {  	[tilespmem:s4+$0x20] =	vst v2  }
0x162: {  	[tilespmem:s4+$0xFFFFFFC0] =	vst v0  }
0x163: {  	[hbm4b:s20+s12] =	stream.linear.scatter [tilespmem:s31], [sflag:$0x3], $0x4200, $0x38;
	[tilespmem:$0x18C00] =	vst v63  }
0x164: {  	_ = 	snop  }
0x165: {  	[tilespmem:s12], [sflag:$0x1] =	stream.linear.gather [hbm4b:s9+s12], $0x8400, $0x38;
	[tilespmem:$0x18C00] =	vst v63  }
0x166: {  	_ =	swait.ge [sflag:s21], $0x8400  }
0x167: {  	[sflag:s21] =	ssyncset.done $0x0  }
0x168: {  	[sflag:s21] =	ssyncadd.s32 $0xFFFF7C00  }
0x169: {  	_ =	swait.ge [sflag:s2], $0x4200  }
0x16a: {  	[sflag:s2] =	ssyncset.done $0x0  }
0x16b: {  	s6 =	simm.s32 $0x8480;
	[sflag:s2] =	ssyncadd.s32 $0xFFFFBE00  }
0x16c: {  	v1 =	vld [tilespmem:s6+$0x60]  }
0x16d: {  	v2 =	vld [tilespmem:s6+$0x70]  }
0x16e: {  	v0 =	vld [tilespmem:s6+$0xFFFFFF90]  }
0x16f: {  	v3 =	vld [tilespmem:s6+$0xFFFFFFA0]  }
0x170: {  	v4 =	vld [tilespmem:s6+$0xFFFFFFB0]  }
0x171: {  	v5 =	vld [tilespmem:s6+$0xFFFFFFC0]  }
0x172: {  	v6 =	vld [tilespmem:s6+$0xFFFFFFD0]  }
0x173: {  	v7 =	vld [tilespmem:s6+$0xFFFFFFE0]  }
0x174: {  	v8 =	vld [tilespmem:s6+$0xFFFFFFF0]  }
0x175: {  	v9 =	vld [tilespmem:s6+$0x0]  }
0x176: {  	v10 =	vld [tilespmem:s6+$0x10];
	v2 =	vadd.f32 v2, v1  }
0x177: {  	s4 =	simm.s32 $0x14A40;
	v4 =	vadd.f32 v4, v3;
	v1 =	vld [tilespmem:s6+$0x20]  }
0x178: {  	v5 =	vadd.f32 v6, v5;
	v3 =	vld [tilespmem:s6+$0x30];
	[tilespmem:s4+$0x30] =	vst v2  }
0x179: {  	v6 =	vadd.f32 v8, v7;
	[tilespmem:s4+$0xFFFFFFD0] =	vst v4;
	v2 =	vld [tilespmem:s6+$0x40]  }
0x17a: {  	[tilespmem:s4+$0xFFFFFFE0] =	vst v5;
	v5 =	vld [tilespmem:s6+$0x50]  }
0x17b: {  	s5 =	simm.s32 $0x0;
	v4 =	vld [tilespmem:s6+$0xFFFFFF80];
	[tilespmem:s4+$0xFFFFFFF0] =	vst v6;
	v6 =	vadd.f32 v10, v9;
	s6 =	simm.s32 $0x8580  }
.LBB2_16:
0x17c: {  	v7 =	vld [tilespmem:s6+$0x60]  }
0x17d: {  	s5 =	sadd.s32 $0x80, s5;
	v8 =	vld [tilespmem:s6+$0x70];
	[tilespmem:s4+$0x0] =	vst v6;
	v1 =	vadd.f32 v3, v1  }
0x17e: {  	p0 =	slt.u32 s5, $0x4180;
	v3 =	vld [tilespmem:s6+$0xFFFFFF90]  }
0x17f: {  	v6 =	vld [tilespmem:s6+$0xFFFFFFA0];
	[tilespmem:s4+$0x10] =	vst v1;
	v1 =	vadd.f32 v5, v2  }
0x180: {  	v2 =	vld [tilespmem:s6+$0xFFFFFFB0];
	v9 =	vadd.f32 v0, v4  }
0x181: {  	v4 =	vld [tilespmem:s6+$0xFFFFFFC0];
	[tilespmem:s4+$0x20] =	vst v1  }
0x182: {  	v1 =	vld [tilespmem:s6+$0xFFFFFFD0];
	v5 =	vadd.f32 v8, v7;
	[tilespmem:s4+$0xFFFFFFC0] =	vst v9  }
0x183: {  	s4 =	sadd.s32 $0x80, s4;
	v7 =	vld [tilespmem:s6+$0xFFFFFFE0];
	v0 =	vmov v3  }
0x184: {  	v8 =	vld [tilespmem:s6+$0xFFFFFFF0];
	[tilespmem:s4+$0x30] =	vst v5  }
0x185: {  	v2 =	vadd.f32 v2, v6;
	v6 =	vld [tilespmem:s6+$0x0]  }
0x186: {  	v9 =	vld [tilespmem:s6+$0x10]  }
.Ltmp7:
0x187: {  	[tilespmem:s4+$0xFFFFFFD0] =	vst v2;
	v2 =	vadd.f32 v1, v4;
	v1 =	vld [tilespmem:s6+$0x20];
	(pc) =	sbr.rel @p0 .LBB2_16-.Ltmp7, $4  }
0x188: {  	v3 =	vld [tilespmem:s6+$0x30]  }
0x189: {  	[tilespmem:s4+$0xFFFFFFE0] =	vst v2;
	v7 =	vadd.f32 v8, v7;
	v2 =	vld [tilespmem:s6+$0x40]  }
0x18a: {  	v5 =	vld [tilespmem:s6+$0x50]  }
0x18b: {  	v4 =	vld [tilespmem:s6+$0xFFFFFF80];
	[tilespmem:s4+$0xFFFFFFF0] =	vst v7;
	v6 =	vadd.f32 v9, v6;
	s6 =	sadd.s32 $0x100, s6  }
0x18c: {  	_ =	sdelay $0x1  }
0x18d: {  	v1 =	vadd.f32 v3, v1  }
0x18e: {  	[tilespmem:s4+$0x0] =	vst v6;
	v2 =	vadd.f32 v5, v2  }
0x18f: {  	[tilespmem:s4+$0x10] =	vst v1;
	v0 =	vadd.f32 v0, v4  }
0x190: {  	[tilespmem:s4+$0x20] =	vst v2  }
0x191: {  	[tilespmem:s4+$0xFFFFFFC0] =	vst v0  }
0x192: {  	[hbm4b:s22+s12] =	stream.linear.scatter [tilespmem:s0], [sflag:$0x4], $0x4200, $0x38;
	[tilespmem:$0x18C00] =	vst v63  }
0x193: {  	_ = 	snop  }
0x194: {  	[tilespmem:s29], [sflag:$0x2] =	stream.linear.gather [hbm4b:s10+s12], $0x8400, $0x38;
	[tilespmem:$0x18C00] =	vst v63  }
0x195: {  	_ =	swait.ge [sflag:s30], $0x8400  }
0x196: {  	[sflag:s30] =	ssyncset.done $0x0  }
0x197: {  	[sflag:s30] =	ssyncadd.s32 $0xFFFF7C00  }
0x198: {  	_ =	swait.ge [sflag:s1], $0x4200  }
0x199: {  	[sflag:s1] =	ssyncset.done $0x0  }
0x19a: {  	s6 =	simm.s32 $0x80;
	[sflag:s1] =	ssyncadd.s32 $0xFFFFBE00  }
0x19b: {  	v1 =	vld [tilespmem:s6+$0x60]  }
0x19c: {  	v2 =	vld [tilespmem:s6+$0x70]  }
0x19d: {  	v0 =	vld [tilespmem:s6+$0xFFFFFF90]  }
0x19e: {  	v3 =	vld [tilespmem:s6+$0xFFFFFFA0]  }
0x19f: {  	v4 =	vld [tilespmem:s6+$0xFFFFFFB0]  }
0x1a0: {  	v5 =	vld [tilespmem:s6+$0xFFFFFFC0]  }
0x1a1: {  	v6 =	vld [tilespmem:s6+$0xFFFFFFD0]  }
0x1a2: {  	v7 =	vld [tilespmem:s6+$0xFFFFFFE0]  }
0x1a3: {  	v8 =	vld [tilespmem:s6+$0xFFFFFFF0]  }
0x1a4: {  	v9 =	vld [tilespmem:s6+$0x0]  }
0x1a5: {  	v10 =	vld [tilespmem:s6+$0x10];
	v2 =	vadd.f32 v2, v1  }
0x1a6: {  	s4 =	simm.s32 $0x10840;
	v4 =	vadd.f32 v4, v3;
	v1 =	vld [tilespmem:s6+$0x20]  }
0x1a7: {  	v5 =	vadd.f32 v6, v5;
	v3 =	vld [tilespmem:s6+$0x30];
	[tilespmem:s4+$0x30] =	vst v2  }
0x1a8: {  	v6 =	vadd.f32 v8, v7;
	[tilespmem:s4+$0xFFFFFFD0] =	vst v4;
	v2 =	vld [tilespmem:s6+$0x40]  }
0x1a9: {  	[tilespmem:s4+$0xFFFFFFE0] =	vst v5;
	v5 =	vld [tilespmem:s6+$0x50]  }
0x1aa: {  	s5 =	simm.s32 $0x0;
	v4 =	vld [tilespmem:s6+$0xFFFFFF80];
	[tilespmem:s4+$0xFFFFFFF0] =	vst v6;
	v6 =	vadd.f32 v10, v9;
	s6 =	simm.s32 $0x180  }
.LBB2_18:
0x1ab: {  	v7 =	vld [tilespmem:s6+$0x60]  }
0x1ac: {  	s5 =	sadd.s32 $0x80, s5;
	v8 =	vld [tilespmem:s6+$0x70];
	[tilespmem:s4+$0x0] =	vst v6;
	v1 =	vadd.f32 v3, v1  }
0x1ad: {  	p0 =	slt.u32 s5, $0x4180;
	v3 =	vld [tilespmem:s6+$0xFFFFFF90]  }
0x1ae: {  	v6 =	vld [tilespmem:s6+$0xFFFFFFA0];
	[tilespmem:s4+$0x10] =	vst v1;
	v1 =	vadd.f32 v5, v2  }
0x1af: {  	v2 =	vld [tilespmem:s6+$0xFFFFFFB0];
	v9 =	vadd.f32 v0, v4  }
0x1b0: {  	v4 =	vld [tilespmem:s6+$0xFFFFFFC0];
	[tilespmem:s4+$0x20] =	vst v1  }
0x1b1: {  	v1 =	vld [tilespmem:s6+$0xFFFFFFD0];
	v5 =	vadd.f32 v8, v7;
	[tilespmem:s4+$0xFFFFFFC0] =	vst v9  }
0x1b2: {  	s4 =	sadd.s32 $0x80, s4;
	v7 =	vld [tilespmem:s6+$0xFFFFFFE0];
	v0 =	vmov v3  }
0x1b3: {  	v8 =	vld [tilespmem:s6+$0xFFFFFFF0];
	[tilespmem:s4+$0x30] =	vst v5  }
0x1b4: {  	v2 =	vadd.f32 v2, v6;
	v6 =	vld [tilespmem:s6+$0x0]  }
0x1b5: {  	v9 =	vld [tilespmem:s6+$0x10]  }
.Ltmp8:
0x1b6: {  	[tilespmem:s4+$0xFFFFFFD0] =	vst v2;
	v2 =	vadd.f32 v1, v4;
	v1 =	vld [tilespmem:s6+$0x20];
	(pc) =	sbr.rel @p0 .LBB2_18-.Ltmp8, $4  }
0x1b7: {  	v3 =	vld [tilespmem:s6+$0x30]  }
0x1b8: {  	[tilespmem:s4+$0xFFFFFFE0] =	vst v2;
	v7 =	vadd.f32 v8, v7;
	v2 =	vld [tilespmem:s6+$0x40]  }
0x1b9: {  	v5 =	vld [tilespmem:s6+$0x50]  }
0x1ba: {  	v4 =	vld [tilespmem:s6+$0xFFFFFF80];
	[tilespmem:s4+$0xFFFFFFF0] =	vst v7;
	v6 =	vadd.f32 v9, v6;
	s6 =	sadd.s32 $0x100, s6  }
0x1bb: {  	_ =	sdelay $0x1  }
0x1bc: {  	v1 =	vadd.f32 v3, v1  }
0x1bd: {  	[tilespmem:s4+$0x0] =	vst v6;
	v2 =	vadd.f32 v5, v2  }
0x1be: {  	[tilespmem:s4+$0x10] =	vst v1;
	v0 =	vadd.f32 v0, v4  }
0x1bf: {  	[tilespmem:s4+$0x20] =	vst v2  }
0x1c0: {  	[tilespmem:s4+$0xFFFFFFC0] =	vst v0  }
0x1c1: {  	[hbm4b:s23+s12] =	stream.linear.scatter [tilespmem:s31], [sflag:$0x3], $0x4200, $0x38;
	[tilespmem:$0x18C00] =	vst v63  }
0x1c2: {  	_ = 	snop  }
0x1c3: {  	[tilespmem:s12], [sflag:$0x1] =	stream.linear.gather [hbm4b:s11+s12], $0x8400, $0x38;
	[tilespmem:$0x18C00] =	vst v63  }
0x1c4: {  	_ =	swait.ge [sflag:s21], $0x8400  }
0x1c5: {  	[sflag:s21] =	ssyncset.done $0x0  }
0x1c6: {  	[sflag:s21] =	ssyncadd.s32 $0xFFFF7C00  }
0x1c7: {  	_ =	swait.ge [sflag:s2], $0x4200  }
0x1c8: {  	[sflag:s2] =	ssyncset.done $0x0  }
0x1c9: {  	s6 =	simm.s32 $0x8480;
	[sflag:s2] =	ssyncadd.s32 $0xFFFFBE00  }
0x1ca: {  	v1 =	vld [tilespmem:s6+$0x60]  }
0x1cb: {  	v2 =	vld [tilespmem:s6+$0x70]  }
0x1cc: {  	v0 =	vld [tilespmem:s6+$0xFFFFFF90]  }
0x1cd: {  	v3 =	vld [tilespmem:s6+$0xFFFFFFA0]  }
0x1ce: {  	v4 =	vld [tilespmem:s6+$0xFFFFFFB0]  }
0x1cf: {  	v5 =	vld [tilespmem:s6+$0xFFFFFFC0]  }
0x1d0: {  	v6 =	vld [tilespmem:s6+$0xFFFFFFD0]  }
0x1d1: {  	v7 =	vld [tilespmem:s6+$0xFFFFFFE0]  }
0x1d2: {  	v8 =	vld [tilespmem:s6+$0xFFFFFFF0]  }
0x1d3: {  	v9 =	vld [tilespmem:s6+$0x0]  }
0x1d4: {  	v10 =	vld [tilespmem:s6+$0x10];
	v2 =	vadd.f32 v2, v1  }
0x1d5: {  	s4 =	simm.s32 $0x14A40;
	v4 =	vadd.f32 v4, v3;
	v1 =	vld [tilespmem:s6+$0x20]  }
0x1d6: {  	v5 =	vadd.f32 v6, v5;
	v3 =	vld [tilespmem:s6+$0x30];
	[tilespmem:s4+$0x30] =	vst v2  }
0x1d7: {  	v6 =	vadd.f32 v8, v7;
	[tilespmem:s4+$0xFFFFFFD0] =	vst v4;
	v2 =	vld [tilespmem:s6+$0x40]  }
0x1d8: {  	[tilespmem:s4+$0xFFFFFFE0] =	vst v5;
	v5 =	vld [tilespmem:s6+$0x50]  }
0x1d9: {  	s5 =	simm.s32 $0x0;
	v4 =	vld [tilespmem:s6+$0xFFFFFF80];
	[tilespmem:s4+$0xFFFFFFF0] =	vst v6;
	v6 =	vadd.f32 v10, v9;
	s6 =	simm.s32 $0x8580  }
.LBB2_20:
0x1da: {  	v7 =	vld [tilespmem:s6+$0x60]  }
0x1db: {  	s5 =	sadd.s32 $0x80, s5;
	v8 =	vld [tilespmem:s6+$0x70];
	[tilespmem:s4+$0x0] =	vst v6;
	v1 =	vadd.f32 v3, v1  }
0x1dc: {  	p0 =	slt.u32 s5, $0x4180;
	v3 =	vld [tilespmem:s6+$0xFFFFFF90]  }
0x1dd: {  	v6 =	vld [tilespmem:s6+$0xFFFFFFA0];
	[tilespmem:s4+$0x10] =	vst v1;
	v1 =	vadd.f32 v5, v2  }
0x1de: {  	v2 =	vld [tilespmem:s6+$0xFFFFFFB0];
	v9 =	vadd.f32 v0, v4  }
0x1df: {  	v4 =	vld [tilespmem:s6+$0xFFFFFFC0];
	[tilespmem:s4+$0x20] =	vst v1  }
0x1e0: {  	v1 =	vld [tilespmem:s6+$0xFFFFFFD0];
	v5 =	vadd.f32 v8, v7;
	[tilespmem:s4+$0xFFFFFFC0] =	vst v9  }
0x1e1: {  	s4 =	sadd.s32 $0x80, s4;
	v7 =	vld [tilespmem:s6+$0xFFFFFFE0];
	v0 =	vmov v3  }
0x1e2: {  	v8 =	vld [tilespmem:s6+$0xFFFFFFF0];
	[tilespmem:s4+$0x30] =	vst v5  }
0x1e3: {  	v2 =	vadd.f32 v2, v6;
	v6 =	vld [tilespmem:s6+$0x0]  }
0x1e4: {  	v9 =	vld [tilespmem:s6+$0x10]  }
.Ltmp9:
0x1e5: {  	[tilespmem:s4+$0xFFFFFFD0] =	vst v2;
	v2 =	vadd.f32 v1, v4;
	v1 =	vld [tilespmem:s6+$0x20];
	(pc) =	sbr.rel @p0 .LBB2_20-.Ltmp9, $4  }
0x1e6: {  	v3 =	vld [tilespmem:s6+$0x30]  }
0x1e7: {  	[tilespmem:s4+$0xFFFFFFE0] =	vst v2;
	v7 =	vadd.f32 v8, v7;
	v2 =	vld [tilespmem:s6+$0x40]  }
0x1e8: {  	v5 =	vld [tilespmem:s6+$0x50]  }
0x1e9: {  	v4 =	vld [tilespmem:s6+$0xFFFFFF80];
	[tilespmem:s4+$0xFFFFFFF0] =	vst v7;
	v6 =	vadd.f32 v9, v6;
	s6 =	sadd.s32 $0x100, s6  }
0x1ea: {  	_ =	sdelay $0x1  }
0x1eb: {  	v1 =	vadd.f32 v3, v1  }
0x1ec: {  	[tilespmem:s4+$0x0] =	vst v6;
	v2 =	vadd.f32 v5, v2  }
0x1ed: {  	[tilespmem:s4+$0x10] =	vst v1;
	v0 =	vadd.f32 v0, v4  }
0x1ee: {  	[tilespmem:s4+$0x20] =	vst v2  }
0x1ef: {  	[tilespmem:s4+$0xFFFFFFC0] =	vst v0  }
0x1f0: {  	[hbm4b:s24+s12] =	stream.linear.scatter [tilespmem:s0], [sflag:$0x4], $0x4200, $0x38;
	[tilespmem:$0x18C00] =	vst v63  }
0x1f1: {  	_ = 	snop  }
0x1f2: {  	[tilespmem:s29], [sflag:$0x2] =	stream.linear.gather [hbm4b:s13+s12], $0x8400, $0x38;
	[tilespmem:$0x18C00] =	vst v63  }
0x1f3: {  	_ =	swait.ge [sflag:s30], $0x8400  }
0x1f4: {  	[sflag:s30] =	ssyncset.done $0x0  }
0x1f5: {  	[sflag:s30] =	ssyncadd.s32 $0xFFFF7C00  }
0x1f6: {  	_ =	swait.ge [sflag:s1], $0x4200  }
0x1f7: {  	[sflag:s1] =	ssyncset.done $0x0  }
0x1f8: {  	s6 =	simm.s32 $0x80;
	[sflag:s1] =	ssyncadd.s32 $0xFFFFBE00  }
0x1f9: {  	v1 =	vld [tilespmem:s6+$0x60]  }
0x1fa: {  	v2 =	vld [tilespmem:s6+$0x70]  }
0x1fb: {  	v0 =	vld [tilespmem:s6+$0xFFFFFF90]  }
0x1fc: {  	v3 =	vld [tilespmem:s6+$0xFFFFFFA0]  }
0x1fd: {  	v4 =	vld [tilespmem:s6+$0xFFFFFFB0]  }
0x1fe: {  	v5 =	vld [tilespmem:s6+$0xFFFFFFC0]  }
0x1ff: {  	v6 =	vld [tilespmem:s6+$0xFFFFFFD0]  }
0x200: {  	v7 =	vld [tilespmem:s6+$0xFFFFFFE0]  }
0x201: {  	v8 =	vld [tilespmem:s6+$0xFFFFFFF0]  }
0x202: {  	v9 =	vld [tilespmem:s6+$0x0]  }
0x203: {  	v10 =	vld [tilespmem:s6+$0x10];
	v2 =	vadd.f32 v2, v1  }
0x204: {  	s4 =	simm.s32 $0x10840;
	v4 =	vadd.f32 v4, v3;
	v1 =	vld [tilespmem:s6+$0x20]  }
0x205: {  	v5 =	vadd.f32 v6, v5;
	v3 =	vld [tilespmem:s6+$0x30];
	[tilespmem:s4+$0x30] =	vst v2  }
0x206: {  	v6 =	vadd.f32 v8, v7;
	[tilespmem:s4+$0xFFFFFFD0] =	vst v4;
	v2 =	vld [tilespmem:s6+$0x40]  }
0x207: {  	[tilespmem:s4+$0xFFFFFFE0] =	vst v5;
	v5 =	vld [tilespmem:s6+$0x50]  }
0x208: {  	s5 =	simm.s32 $0x0;
	v4 =	vld [tilespmem:s6+$0xFFFFFF80];
	[tilespmem:s4+$0xFFFFFFF0] =	vst v6;
	v6 =	vadd.f32 v10, v9;
	s6 =	simm.s32 $0x180  }
.LBB2_22:
0x209: {  	v7 =	vld [tilespmem:s6+$0x60]  }
0x20a: {  	s5 =	sadd.s32 $0x80, s5;
	v8 =	vld [tilespmem:s6+$0x70];
	[tilespmem:s4+$0x0] =	vst v6;
	v1 =	vadd.f32 v3, v1  }
0x20b: {  	p0 =	slt.u32 s5, $0x4180;
	v3 =	vld [tilespmem:s6+$0xFFFFFF90]  }
0x20c: {  	v6 =	vld [tilespmem:s6+$0xFFFFFFA0];
	[tilespmem:s4+$0x10] =	vst v1;
	v1 =	vadd.f32 v5, v2  }
0x20d: {  	v2 =	vld [tilespmem:s6+$0xFFFFFFB0];
	v9 =	vadd.f32 v0, v4  }
0x20e: {  	v4 =	vld [tilespmem:s6+$0xFFFFFFC0];
	[tilespmem:s4+$0x20] =	vst v1  }
0x20f: {  	v1 =	vld [tilespmem:s6+$0xFFFFFFD0];
	v5 =	vadd.f32 v8, v7;
	[tilespmem:s4+$0xFFFFFFC0] =	vst v9  }
0x210: {  	s4 =	sadd.s32 $0x80, s4;
	v7 =	vld [tilespmem:s6+$0xFFFFFFE0];
	v0 =	vmov v3  }
0x211: {  	v8 =	vld [tilespmem:s6+$0xFFFFFFF0];
	[tilespmem:s4+$0x30] =	vst v5  }
0x212: {  	v2 =	vadd.f32 v2, v6;
	v6 =	vld [tilespmem:s6+$0x0]  }
0x213: {  	v9 =	vld [tilespmem:s6+$0x10]  }
.Ltmp10:
0x214: {  	[tilespmem:s4+$0xFFFFFFD0] =	vst v2;
	v2 =	vadd.f32 v1, v4;
	v1 =	vld [tilespmem:s6+$0x20];
	(pc) =	sbr.rel @p0 .LBB2_22-.Ltmp10, $4  }
0x215: {  	v3 =	vld [tilespmem:s6+$0x30]  }
0x216: {  	[tilespmem:s4+$0xFFFFFFE0] =	vst v2;
	v7 =	vadd.f32 v8, v7;
	v2 =	vld [tilespmem:s6+$0x40]  }
0x217: {  	v5 =	vld [tilespmem:s6+$0x50]  }
0x218: {  	v4 =	vld [tilespmem:s6+$0xFFFFFF80];
	[tilespmem:s4+$0xFFFFFFF0] =	vst v7;
	v6 =	vadd.f32 v9, v6;
	s6 =	sadd.s32 $0x100, s6  }
0x219: {  	_ =	sdelay $0x1  }
0x21a: {  	v1 =	vadd.f32 v3, v1  }
0x21b: {  	[tilespmem:s4+$0x0] =	vst v6;
	v2 =	vadd.f32 v5, v2  }
0x21c: {  	[tilespmem:s4+$0x10] =	vst v1;
	v0 =	vadd.f32 v0, v4  }
0x21d: {  	[tilespmem:s4+$0x20] =	vst v2  }
0x21e: {  	[tilespmem:s4+$0xFFFFFFC0] =	vst v0  }
0x21f: {  	[hbm4b:s25+s12] =	stream.linear.scatter [tilespmem:s31], [sflag:$0x3], $0x4200, $0x38;
	[tilespmem:$0x18C00] =	vst v63  }
0x220: {  	_ =	swait.ge [sflag:s21], $0x8400  }
0x221: {  	[sflag:s21] =	ssyncset.done $0x0  }
0x222: {  	[sflag:s21] =	ssyncadd.s32 $0xFFFF7C00  }
0x223: {  	_ =	swait.ge [sflag:s2], $0x4200  }
0x224: {  	[sflag:s2] =	ssyncset.done $0x0  }
0x225: {  	s6 =	simm.s32 $0x8480;
	[sflag:s2] =	ssyncadd.s32 $0xFFFFBE00  }
0x226: {  	v1 =	vld [tilespmem:s6+$0x60]  }
0x227: {  	v2 =	vld [tilespmem:s6+$0x70]  }
0x228: {  	v0 =	vld [tilespmem:s6+$0xFFFFFF90]  }
0x229: {  	v3 =	vld [tilespmem:s6+$0xFFFFFFA0]  }
0x22a: {  	v4 =	vld [tilespmem:s6+$0xFFFFFFB0]  }
0x22b: {  	v5 =	vld [tilespmem:s6+$0xFFFFFFC0]  }
0x22c: {  	v6 =	vld [tilespmem:s6+$0xFFFFFFD0]  }
0x22d: {  	v7 =	vld [tilespmem:s6+$0xFFFFFFE0]  }
0x22e: {  	v8 =	vld [tilespmem:s6+$0xFFFFFFF0]  }
0x22f: {  	v9 =	vld [tilespmem:s6+$0x0]  }
0x230: {  	v10 =	vld [tilespmem:s6+$0x10];
	v2 =	vadd.f32 v2, v1  }
0x231: {  	s4 =	simm.s32 $0x14A40;
	v4 =	vadd.f32 v4, v3;
	v1 =	vld [tilespmem:s6+$0x20]  }
0x232: {  	v5 =	vadd.f32 v6, v5;
	v3 =	vld [tilespmem:s6+$0x30];
	[tilespmem:s4+$0x30] =	vst v2  }
0x233: {  	v6 =	vadd.f32 v8, v7;
	[tilespmem:s4+$0xFFFFFFD0] =	vst v4;
	v2 =	vld [tilespmem:s6+$0x40]  }
0x234: {  	[tilespmem:s4+$0xFFFFFFE0] =	vst v5;
	v5 =	vld [tilespmem:s6+$0x50]  }
0x235: {  	s5 =	simm.s32 $0x0;
	v4 =	vld [tilespmem:s6+$0xFFFFFF80];
	[tilespmem:s4+$0xFFFFFFF0] =	vst v6;
	v6 =	vadd.f32 v10, v9;
	s6 =	simm.s32 $0x8580  }
.LBB2_24:
0x236: {  	v7 =	vld [tilespmem:s6+$0x60]  }
0x237: {  	s5 =	sadd.s32 $0x80, s5;
	v8 =	vld [tilespmem:s6+$0x70];
	[tilespmem:s4+$0x0] =	vst v6;
	v1 =	vadd.f32 v3, v1  }
0x238: {  	p0 =	slt.u32 s5, $0x4180;
	v3 =	vld [tilespmem:s6+$0xFFFFFF90]  }
0x239: {  	v6 =	vld [tilespmem:s6+$0xFFFFFFA0];
	[tilespmem:s4+$0x10] =	vst v1;
	v1 =	vadd.f32 v5, v2  }
0x23a: {  	v2 =	vld [tilespmem:s6+$0xFFFFFFB0];
	v9 =	vadd.f32 v0, v4  }
0x23b: {  	v4 =	vld [tilespmem:s6+$0xFFFFFFC0];
	[tilespmem:s4+$0x20] =	vst v1  }
0x23c: {  	v1 =	vld [tilespmem:s6+$0xFFFFFFD0];
	v5 =	vadd.f32 v8, v7;
	[tilespmem:s4+$0xFFFFFFC0] =	vst v9  }
0x23d: {  	s4 =	sadd.s32 $0x80, s4;
	v7 =	vld [tilespmem:s6+$0xFFFFFFE0];
	v0 =	vmov v3  }
0x23e: {  	v8 =	vld [tilespmem:s6+$0xFFFFFFF0];
	[tilespmem:s4+$0x30] =	vst v5  }
0x23f: {  	v2 =	vadd.f32 v2, v6;
	v6 =	vld [tilespmem:s6+$0x0]  }
0x240: {  	v9 =	vld [tilespmem:s6+$0x10]  }
.Ltmp11:
0x241: {  	[tilespmem:s4+$0xFFFFFFD0] =	vst v2;
	v2 =	vadd.f32 v1, v4;
	v1 =	vld [tilespmem:s6+$0x20];
	(pc) =	sbr.rel @p0 .LBB2_24-.Ltmp11, $4  }
0x242: {  	v3 =	vld [tilespmem:s6+$0x30]  }
0x243: {  	[tilespmem:s4+$0xFFFFFFE0] =	vst v2;
	v7 =	vadd.f32 v8, v7;
	v2 =	vld [tilespmem:s6+$0x40]  }
0x244: {  	v5 =	vld [tilespmem:s6+$0x50]  }
0x245: {  	v4 =	vld [tilespmem:s6+$0xFFFFFF80];
	[tilespmem:s4+$0xFFFFFFF0] =	vst v7;
	v6 =	vadd.f32 v9, v6;
	s6 =	sadd.s32 $0x100, s6  }
0x246: {  	_ =	sdelay $0x1  }
0x247: {  	v1 =	vadd.f32 v3, v1  }
0x248: {  	[tilespmem:s4+$0x0] =	vst v6;
	v2 =	vadd.f32 v5, v2  }
0x249: {  	[tilespmem:s4+$0x10] =	vst v1;
	v0 =	vadd.f32 v0, v4  }
0x24a: {  	[tilespmem:s4+$0x20] =	vst v2  }
0x24b: {  	s3 =	sadd.s32 $0x1, s3;
	[tilespmem:s4+$0xFFFFFFC0] =	vst v0  }
0x24c: {  	[hbm4b:s26+s12] =	stream.linear.scatter [tilespmem:s0], [sflag:$0x4], $0x4200, $0x38;
	[tilespmem:$0x18C00] =	vst v63  }
0x24d: {  	p0 =	sne.s32 s3, s28;
	_ =	swait.ge [sflag:s1], $0x4200  }
.Ltmp12:
0x24e: {  	[sflag:s1] =	ssyncset.done $0x0;
	(pc) =	sbr.rel @p0 .LBB2_1-.Ltmp12, $4  }
0x24f: {  	[sflag:s1] =	ssyncadd.s32 $0xFFFFBE00  }
0x250: {  	_ =	swait.ge [sflag:s2], $0x4200  }
0x251: {  	[sflag:s2] =	ssyncset.done $0x0  }
0x252: {  	[sflag:s2] =	ssyncadd.s32 $0xFFFFBE00  }
0x253: {  	_ =	sfence.sel $0x180000  }
0x254: {  	[bflag:$0x0] =	sbarrier.arrive $0xFFFF  }
0x255: {  	_ =	strace $0x90000047  }
0x256: {  	s0 =	stileid.u32;
	[bflag:$0x2] =	sbarrier.arrive $0xFFFF  }
0x257: {  	p0 =	sne.s32 s0, $0x0;
	s0 =	rddreg [dreg:$0x2]  }
0x258: {  	s0 =	sadd.s32 @!p0 $0x100000, s0  }
0x259: {  	[sflag:s0] =	ssyncadd.tile.s32 @!p0 $0x1;
	_ =	shalt  }
.Lfunc_end2:
_tile_overlayer_lowered:
.L_overlay_start_2:
0x25a: {  	(tag) =	ssettag $0x2  }
0x25b: {  	s0 =	rddreg [dreg:$0x0];
	s2 =	stileid.u32  }
0x25c: {  	s1 =	rddreg [dreg:$0x1];
	p0 =	sne.s32 s2, $0x0  }
0x25d: {  	s3 =	rddreg [dreg:$0x2];
	[bflag:$0x3] =	sbarrier.arrive $0xFFFF;
	s2 =	simm.s32 @!p0 $0x1C05  }
0x25e: {  	[timem:s3], [sflag:s2] =	dma.local @!p0 [hbm:s0], s1  }
0x25f: {  	s0 =	simm.s32 @!p0 $0x5  }
0x260: {  	_ =	swait.ge @!p0 [sflag:s0], s1  }
0x261: {  	s1 =	ssub.s32 @!p0 $0x0, s1;
	[sflag:s0] =	ssyncset.done @!p0 $0x0  }
0x262: {  	[sflag:s0] =	ssyncadd.s32 @!p0 s1  }
0x263: {  	[bflag:$0x3] =	sbarrier.arrive $0xFFFF  }
0x264: {  	_ =	shalt  }

</sc_bundles>
